<compile_context>
chip_gen: v7x
topology: tpu7x:2x2x1
jax: 0.10.2.dev20260603
libtpu: 0.0.44.dev20260713+nightly
codegen_flags: <defaults>
</compile_context>

<pallas_src>
import functools

import jax
import jax.numpy as jnp
from jax import lax
from jax.experimental import pallas as pl
from jax.experimental.pallas import tpu as pltpu
from jax.experimental.pallas import tpu_sc as plsc

N = 10000
DI = 128
DO = 64
E = 320000
NC = 2
NS = 16
NW = NC * NS
EB = 128
NBT = E // EB
NBMAX = NBT // NW + 1
RPT = N // NS

_MESH = functools.partial(
    plsc.VectorSubcoreMesh,
    core_axis_name="c", subcore_axis_name="s", num_cores=NC, num_subcores=NS,
)
_SC_PARAMS = pltpu.CompilerParams(use_tc_tiling_on_sc=False)


def _tile_ids():
    c = lax.axis_index("c")
    s = lax.axis_index("s")
    wid = s * NC + c
    b0 = (wid * NBT) // NW
    nb = ((wid + 1) * NBT) // NW - b0
    return c, s, wid, b0, nb


@functools.partial(
    pl.kernel,
    out_type=jax.ShapeDtypeStruct((NC, N), jnp.float32),
    mesh=_MESH(),
    compiler_params=_SC_PARAMS,
    scratch_types=[
        pltpu.VMEM((NBMAX, EB), jnp.int32),
        pltpu.VMEM((EB,), jnp.float32),
        pltpu.VMEM_SHARED((N,), jnp.float32),
        pltpu.SemaphoreType.DMA((2,)),
    ],
)
def _cnt_kernel(ei_hbm, ones_hbm, zeros_hbm, out_hbm, dst_v, ones_v, cnt_sh,
                sems):
    c, s, wid, b0, nb = _tile_ids()
    r0 = lax.div(s * RPT, 8) * 8
    pltpu.sync_copy(zeros_hbm.at[pl.ds(r0, RPT + 7)],
                    cnt_sh.at[pl.ds(r0, RPT + 7)])
    pltpu.sync_copy(ones_hbm, ones_v)
    pltpu.sync_copy(ei_hbm.at[1, pl.ds(b0, NBMAX)], dst_v)
    plsc.subcore_barrier()

    def body(b, carry):
        j = lax.rem(b, 2)

        @pl.when(b >= 2)
        def _():
            pltpu.make_async_copy(ones_v, cnt_sh.at[dst_v.at[0]],
                                  sems.at[j]).wait()

        pltpu.async_copy(ones_v, cnt_sh.at[dst_v.at[b]], sems.at[j], add=True)
        return carry

    lax.fori_loop(0, nb, body, 0)
    for d in range(2):
        jd = lax.rem(nb + d, 2)
        pltpu.make_async_copy(ones_v, cnt_sh.at[dst_v.at[0]],
                              sems.at[jd]).wait()
    plsc.subcore_barrier()
    pltpu.sync_copy(cnt_sh.at[pl.ds(r0, RPT + 7)],
                    out_hbm.at[c, pl.ds(r0, RPT + 7)])


@functools.partial(
    pl.kernel,
    out_type=jax.ShapeDtypeStruct((NC, N, DO), jnp.float32),
    mesh=_MESH(),
    compiler_params=_SC_PARAMS,
    scratch_types=[
        pltpu.VMEM((NBMAX, EB), jnp.int32),
        pltpu.VMEM((NBMAX, EB), jnp.int32),
        pltpu.VMEM((3, EB, DO), jnp.float32),
        pltpu.VMEM_SHARED((N, DO), jnp.float32),
        pltpu.VMEM_SHARED((N, DO), jnp.float32),
        pltpu.SemaphoreType.DMA((3,)),
        pltpu.SemaphoreType.DMA((3,)),
    ],
)
def _scat_kernel(ei_hbm, h2_hbm, zeros_hbm, out_hbm,
                 src_v, dst_v, rows_v, agg_sh, h2_sh, semg, sems):
    c, s, wid, b0, nb = _tile_ids()
    base = s * RPT
    pltpu.sync_copy(zeros_hbm.at[pl.ds(base, RPT)], agg_sh.at[pl.ds(base, RPT)])
    pltpu.sync_copy(h2_hbm.at[pl.ds(base, RPT)], h2_sh.at[pl.ds(base, RPT)])
    pltpu.sync_copy(ei_hbm.at[0, pl.ds(b0, NBMAX)], src_v)
    pltpu.sync_copy(ei_hbm.at[1, pl.ds(b0, NBMAX)], dst_v)
    plsc.subcore_barrier()

    for j in range(3):
        pltpu.async_copy(h2_sh.at[src_v.at[j]], rows_v.at[j], semg.at[j])

    def body(b, carry):
        j = lax.rem(b, 3)
        pltpu.make_async_copy(h2_hbm.at[src_v.at[0]], rows_v.at[j],
                              semg.at[j]).wait()
        pltpu.async_copy(rows_v.at[j], agg_sh.at[dst_v.at[b]], sems.at[j],
                         add=True)
        j2 = lax.rem(b + 2, 3)

        @pl.when(b >= 1)
        def _():
            pltpu.make_async_copy(rows_v.at[j2], agg_sh.at[dst_v.at[0]],
                                  sems.at[j2]).wait()
            pltpu.async_copy(h2_sh.at[src_v.at[lax.rem(b + 2, nb)]],
                             rows_v.at[j2], semg.at[j2])

        return carry

    lax.fori_loop(0, nb, body, 0)
    js = lax.rem(nb + 2, 3)
    pltpu.make_async_copy(rows_v.at[js], agg_sh.at[dst_v.at[0]],
                          sems.at[js]).wait()
    for d in range(2):
        jg = lax.rem(nb + d, 3)
        pltpu.make_async_copy(h2_hbm.at[src_v.at[0]], rows_v.at[jg],
                              semg.at[jg]).wait()
    plsc.subcore_barrier()
    pltpu.sync_copy(agg_sh.at[pl.ds(base, RPT)], out_hbm.at[c, pl.ds(base, RPT)])


def _mm_body(x_ref, wg_ref, w1_ref, w3_ref, h_ref):
    h = lax.dot_general(x_ref[...], wg_ref[...], (((1,), (1,)), ((), ())),
                        preferred_element_type=jnp.float32)
    h = lax.dot_general(h, w1_ref[...], (((1,), (1,)), ((), ())),
                        preferred_element_type=jnp.float32)
    h_ref[...] = lax.dot_general(h, w3_ref[...], (((1,), (1,)), ((), ())),
                                 preferred_element_type=jnp.float32)


_mm_call = pl.pallas_call(
    _mm_body,
    out_shape=jax.ShapeDtypeStruct((N, DO), jnp.float32),
)


def _scale_body(h_ref, c_ref, h2_ref):
    cn = c_ref[...]
    cnt = (cn[0] + cn[1])[:, None]
    h2_ref[...] = h_ref[...] * lax.rsqrt(cnt + 1.0)


_scale_call = pl.pallas_call(
    _scale_body,
    out_shape=jax.ShapeDtypeStruct((N, DO), jnp.float32),
)


def _epi_body(a_ref, h2_ref, c_ref, w1_ref, w3_ref, bg_ref, b1_ref, b3_ref,
              out_ref):
    cr = lax.dot_general(bg_ref[...], w1_ref[...], (((1,), (1,)), ((), ())),
                         preferred_element_type=jnp.float32) + b1_ref[...]
    cr = lax.dot_general(cr, w3_ref[...], (((1,), (1,)), ((), ())),
                         preferred_element_type=jnp.float32) + b3_ref[...]
    cn = c_ref[...]
    deg = (cn[0] + cn[1])[:, None] + 1.0
    a = a_ref[...]
    agg = a[0] + a[1] + h2_ref[...]
    out_ref[...] = agg * lax.rsqrt(deg) + cr


_epi_call = pl.pallas_call(
    _epi_body,
    out_shape=jax.ShapeDtypeStruct((N, DO), jnp.float32),
)


def kernel(x, edge_index, batch, W_gcn, b_gcn, W1, b1, W3, b3):
    ei = edge_index.reshape(2, NBT, EB)
    ones1 = jnp.ones((EB,), jnp.float32)
    zeros1 = jnp.zeros((N,), jnp.float32)
    zeros64 = jnp.zeros((N, DO), jnp.float32)

    h_raw = _mm_call(x, W_gcn, W1, W3)
    cnts = _cnt_kernel(ei, ones1, zeros1)
    h2 = _scale_call(h_raw, cnts)
    aggs = _scat_kernel(ei, h2, zeros64)
    return _epi_call(aggs, h2, cnts, W1, W3,
                     b_gcn.reshape(1, DI), b1.reshape(1, DO),
                     b3.reshape(1, DO))

# --- scband reference (transcript-rebuilt; emitter-appended) ---
"""Pipeline reference for scband-variational-encoder-16157666968392 (READ-ONLY COPY).

The authoritative reference and input builder live on the scoring server;
editing this copy changes nothing except your own understanding.
"""

import jax, jax.numpy as jnp
import numpy as np

N_NODES = 10000
N_EDGES = 320000
DIM_IN = 128
DIM_H = 128
LATENT = 64


def setup_inputs(seed: int = 0) -> dict:
    key = jax.random.key(seed)
    ks = jax.random.split(key, 9)
    x = jax.random.normal(ks[0], (N_NODES, DIM_IN), dtype=jnp.float32)
    edge_index = jax.random.randint(ks[1], (2, N_EDGES), 0, N_NODES, dtype=jnp.int32)
    batch = jnp.zeros((N_NODES,), dtype=jnp.int32)
    # GCNConv params (PyG: lin weight [dim_h, dim_in], bias [dim_h])
    W_gcn = jax.random.normal(ks[2], (DIM_H, DIM_IN), dtype=jnp.float32) * (1.0 / np.sqrt(DIM_IN))
    b_gcn = jnp.zeros((DIM_H,), dtype=jnp.float32)
    W1 = jax.random.normal(ks[3], (LATENT, DIM_H), dtype=jnp.float32) * (1.0 / np.sqrt(DIM_H))
    b1 = jax.random.normal(ks[4], (LATENT,), dtype=jnp.float32) * 0.01
    W3 = jax.random.normal(ks[5], (LATENT, LATENT), dtype=jnp.float32) * (1.0 / np.sqrt(LATENT))
    b3 = jax.random.normal(ks[6], (LATENT,), dtype=jnp.float32) * 0.01
    return {"x": x, "edge_index": edge_index, "batch": batch,
            "W_gcn": W_gcn, "b_gcn": b_gcn, "W1": W1, "b1": b1, "W3": W3, "b3": b3}


def _gcn_conv(x, edge_index, W, b):
    N = x.shape[0]
    loop = jnp.arange(N, dtype=edge_index.dtype)
    src = jnp.concatenate([edge_index[0], loop])
    dst = jnp.concatenate([edge_index[1], loop])
    # symmetric normalization with self-loops (PyG GCNConv default)
    deg = jax.ops.segment_sum(jnp.ones_like(src, dtype=x.dtype), dst, num_segments=N)
    dinv = jnp.where(deg > 0, deg ** -0.5, 0.0)
    norm = dinv[src] * dinv[dst]
    h = x @ W.T                      # linear transform first (PyG order)
    msg = h[src] * norm[:, None]     # gather + scale
    agg = jax.ops.segment_sum(msg, dst, num_segments=N)  # scatter-add
    return agg + b


def reference(x, edge_index, batch, W_gcn, b_gcn, W1, b1, W3, b3):
    g1 = _gcn_conv(x, edge_index, W_gcn, b_gcn)
    l1 = g1 @ W1.T + b1
    l3 = l1 @ W3.T + b3
    return l3

if __name__ == "__main__":
    import jax
    _d = setup_inputs()
    print(jax.jit(kernel)(*tuple(_d.values())))

</pallas_src>

<mosaic_0001>
#map = affine_map<(d0, d1) -> (0, 0, 0)>
#map1 = affine_map<(d0, d1) -> (0, 0)>
module attributes {stable_mosaic.version = 14 : i64} {
  func.func @_scat_kernel(%arg0: i32, %arg1: i32, %arg2: memref<2x2500x128xi32, #tpu.memory_space<hbm>>, %arg3: memref<10000x64xf32, #tpu.memory_space<hbm>>, %arg4: memref<10000x64xf32, #tpu.memory_space<hbm>>, %arg5: memref<2x10000x64xf32, #tpu.memory_space<hbm>>, %arg6: memref<79x128xi32, #tpu.memory_space<vmem>>, %arg7: memref<79x128xi32, #tpu.memory_space<vmem>>, %arg8: memref<3x128x64xf32, #tpu.memory_space<vmem>>, %arg9: memref<10000x64xf32, #tpu.memory_space<vmem_shared>>, %arg10: memref<10000x64xf32, #tpu.memory_space<vmem_shared>>, %arg11: memref<3x!tpu.dma_semaphore, #tpu.memory_space<semaphore_mem>>, %arg12: memref<3x!tpu.dma_semaphore, #tpu.memory_space<semaphore_mem>>) attributes {dimension_semantics = [#tpu.dimension_semantics<core_parallel>, #tpu.dimension_semantics<subcore_parallel>], iteration_bounds = array<i64: 2, 16>, scalar_prefetch = 0 : i64, scratch_operands = 7 : i64, tpu.core_type = #tpu.core_type<sc_vector_subcore>, window_params = [{transform_indices = #map}, {transform_indices = #map1}, {transform_indices = #map1}, {transform_indices = #map}]} {
    %mul3A = arith.constant 2 : i32
    %mul3A_0 = arith.muli %arg1, %mul3A : i32
    %add3A = arith.addi %mul3A_0, %arg0 : i32
    %mul3A_1 = arith.constant 2500 : i32
    %mul3A_2 = arith.muli %add3A, %mul3A_1 : i32
    %jit3A = arith.constant 32 : i32
    %div3A = arith.divsi %mul3A_2, %jit3A : i32
    %sign3A = arith.constant 0 : i32
    %sign3A_3 = arith.cmpi sgt, %mul3A_2, %sign3A : i32
    %sign3A_4 = arith.extui %sign3A_3 : i1 to i32
    %sign3A_5 = arith.constant 0 : i32
    %sign3A_6 = arith.cmpi slt, %mul3A_2, %sign3A_5 : i32
    %sign3A_7 = arith.extui %sign3A_6 : i1 to i32
    %sign3A_8 = arith.subi %sign3A_4, %sign3A_7 : i32
    %sign3A_9 = arith.constant 0 : i32
    %sign3A_10 = arith.cmpi sgt, %jit3A, %sign3A_9 : i32
    %sign3A_11 = arith.extui %sign3A_10 : i1 to i32
    %sign3A_12 = arith.constant 0 : i32
    %sign3A_13 = arith.cmpi slt, %jit3A, %sign3A_12 : i32
    %sign3A_14 = arith.extui %sign3A_13 : i1 to i32
    %sign3A_15 = arith.subi %sign3A_11, %sign3A_14 : i32
    %ne3A = arith.cmpi ne, %sign3A_8, %sign3A_15 : i32
    %rem3A = arith.remsi %mul3A_2, %jit3A : i32
    %ne3A_16 = arith.constant 0 : i32
    %ne3A_17 = arith.cmpi ne, %rem3A, %ne3A_16 : i32
    %and3A = arith.andi %ne3A, %ne3A_17 : i1
    %sub3A = arith.constant 1 : i32
    %sub3A_18 = arith.subi %div3A, %sub3A : i32
    %select_n3A = arith.select %and3A, %sub3A_18, %div3A : i32
    %add3A_19 = arith.constant 1 : i32
    %add3A_20 = arith.addi %add3A, %add3A_19 : i32
    %mul3A_21 = arith.constant 2500 : i32
    %mul3A_22 = arith.muli %add3A_20, %mul3A_21 : i32
    %jit3A_23 = arith.constant 32 : i32
    %div3A_24 = arith.divsi %mul3A_22, %jit3A_23 : i32
    %sign3A_25 = arith.constant 0 : i32
    %sign3A_26 = arith.cmpi sgt, %mul3A_22, %sign3A_25 : i32
    %sign3A_27 = arith.extui %sign3A_26 : i1 to i32
    %sign3A_28 = arith.constant 0 : i32
    %sign3A_29 = arith.cmpi slt, %mul3A_22, %sign3A_28 : i32
    %sign3A_30 = arith.extui %sign3A_29 : i1 to i32
    %sign3A_31 = arith.subi %sign3A_27, %sign3A_30 : i32
    %sign3A_32 = arith.constant 0 : i32
    %sign3A_33 = arith.cmpi sgt, %jit3A_23, %sign3A_32 : i32
    %sign3A_34 = arith.extui %sign3A_33 : i1 to i32
    %sign3A_35 = arith.constant 0 : i32
    %sign3A_36 = arith.cmpi slt, %jit3A_23, %sign3A_35 : i32
    %sign3A_37 = arith.extui %sign3A_36 : i1 to i32
    %sign3A_38 = arith.subi %sign3A_34, %sign3A_37 : i32
    %ne3A_39 = arith.cmpi ne, %sign3A_31, %sign3A_38 : i32
    %rem3A_40 = arith.remsi %mul3A_22, %jit3A_23 : i32
    %ne3A_41 = arith.constant 0 : i32
    %ne3A_42 = arith.cmpi ne, %rem3A_40, %ne3A_41 : i32
    %and3A_43 = arith.andi %ne3A_39, %ne3A_42 : i1
    %sub3A_44 = arith.constant 1 : i32
    %sub3A_45 = arith.subi %div3A_24, %sub3A_44 : i32
    %select_n3A_46 = arith.select %and3A_43, %sub3A_45, %div3A_24 : i32
    %sub3A_47 = arith.subi %select_n3A_46, %select_n3A : i32
    %mul3A_48 = arith.constant 625 : i32
    %mul3A_49 = arith.muli %arg1, %mul3A_48 : i32
    "tpu.region"() ({
      %run_scoped3A_155 = tpu.sem_alloc : memref<!tpu.dma_semaphore, #tpu.memory_space<semaphore_mem>>
      %dma_start3A_156 = arith.constant 0 : i32
      %dma_start3A_157 = tpu.memref_slice %arg9[%mul3A_49, %dma_start3A_156] : memref<10000x64xf32, #tpu.memory_space<vmem_shared>> -> memref<625x64xf32, #tpu.memory_space<vmem_shared>>
      %dma_start3A_158 = arith.constant 0 : i32
      %dma_start3A_159 = tpu.memref_slice %arg4[%mul3A_49, %dma_start3A_158] : memref<10000x64xf32, #tpu.memory_space<hbm>> -> memref<625x64xf32, #tpu.memory_space<hbm>>
      tpu.enqueue_dma source(%dma_start3A_159 : memref<625x64xf32, #tpu.memory_space<hbm>>) target(%dma_start3A_157 : memref<625x64xf32, #tpu.memory_space<vmem_shared>>) target_semaphore(%run_scoped3A_155 : memref<!tpu.dma_semaphore, #tpu.memory_space<semaphore_mem>>)
      %dma_wait3A_160 = arith.constant 0 : i32
      %dma_wait3A_161 = tpu.memref_slice %arg9[%mul3A_49, %dma_wait3A_160] : memref<10000x64xf32, #tpu.memory_space<vmem_shared>> -> memref<625x64xf32, #tpu.memory_space<vmem_shared>>
      %dma_wait3A_162 = arith.constant 0 : i32
      %dma_wait3A_163 = tpu.memref_slice %arg4[%mul3A_49, %dma_wait3A_162] : memref<10000x64xf32, #tpu.memory_space<hbm>> -> memref<625x64xf32, #tpu.memory_space<hbm>>
      tpu.wait_dma2 semaphore(%run_scoped3A_155 : memref<!tpu.dma_semaphore, #tpu.memory_space<semaphore_mem>>) src(%dma_wait3A_163 : memref<625x64xf32, #tpu.memory_space<hbm>>) dst(%dma_wait3A_161 : memref<625x64xf32, #tpu.memory_space<vmem_shared>>)
      tpu.yield
    }) : () -> ()
    "tpu.region"() ({
      %run_scoped3A_155 = tpu.sem_alloc : memref<!tpu.dma_semaphore, #tpu.memory_space<semaphore_mem>>
      %dma_start3A_156 = arith.constant 0 : i32
      %dma_start3A_157 = tpu.memref_slice %arg10[%mul3A_49, %dma_start3A_156] : memref<10000x64xf32, #tpu.memory_space<vmem_shared>> -> memref<625x64xf32, #tpu.memory_space<vmem_shared>>
      %dma_start3A_158 = arith.constant 0 : i32
      %dma_start3A_159 = tpu.memref_slice %arg3[%mul3A_49, %dma_start3A_158] : memref<10000x64xf32, #tpu.memory_space<hbm>> -> memref<625x64xf32, #tpu.memory_space<hbm>>
      tpu.enqueue_dma source(%dma_start3A_159 : memref<625x64xf32, #tpu.memory_space<hbm>>) target(%dma_start3A_157 : memref<625x64xf32, #tpu.memory_space<vmem_shared>>) target_semaphore(%run_scoped3A_155 : memref<!tpu.dma_semaphore, #tpu.memory_space<semaphore_mem>>)
      %dma_wait3A_160 = arith.constant 0 : i32
      %dma_wait3A_161 = tpu.memref_slice %arg10[%mul3A_49, %dma_wait3A_160] : memref<10000x64xf32, #tpu.memory_space<vmem_shared>> -> memref<625x64xf32, #tpu.memory_space<vmem_shared>>
      %dma_wait3A_162 = arith.constant 0 : i32
      %dma_wait3A_163 = tpu.memref_slice %arg3[%mul3A_49, %dma_wait3A_162] : memref<10000x64xf32, #tpu.memory_space<hbm>> -> memref<625x64xf32, #tpu.memory_space<hbm>>
      tpu.wait_dma2 semaphore(%run_scoped3A_155 : memref<!tpu.dma_semaphore, #tpu.memory_space<semaphore_mem>>) src(%dma_wait3A_163 : memref<625x64xf32, #tpu.memory_space<hbm>>) dst(%dma_wait3A_161 : memref<625x64xf32, #tpu.memory_space<vmem_shared>>)
      tpu.yield
    }) : () -> ()
    %run_scoped3A = arith.constant 0 : i32
    "tpu.region"() ({
      %run_scoped3A_155 = tpu.sem_alloc : memref<!tpu.dma_semaphore, #tpu.memory_space<semaphore_mem>>
      %dma_start3A_156 = arith.constant 0 : i32
      %dma_start3A_157 = tpu.memref_slice %arg2[%run_scoped3A, %select_n3A, %dma_start3A_156] : memref<2x2500x128xi32, #tpu.memory_space<hbm>> -> memref<1x79x128xi32, #tpu.memory_space<hbm>>
      %dma_start3A_158 = tpu.memref_squeeze %dma_start3A_157 : memref<1x79x128xi32, #tpu.memory_space<hbm>> -> memref<79x128xi32, #tpu.memory_space<hbm>>
      %dma_start3A_159 = arith.constant 0 : i32
      %dma_start3A_160 = tpu.memref_slice %arg2[%run_scoped3A, %select_n3A, %dma_start3A_159] : memref<2x2500x128xi32, #tpu.memory_space<hbm>> -> memref<1x79x128xi32, #tpu.memory_space<hbm>>
      %dma_start3A_161 = tpu.memref_squeeze %dma_start3A_160 : memref<1x79x128xi32, #tpu.memory_space<hbm>> -> memref<79x128xi32, #tpu.memory_space<hbm>>
      tpu.enqueue_dma source(%dma_start3A_161 : memref<79x128xi32, #tpu.memory_space<hbm>>) target(%arg6 : memref<79x128xi32, #tpu.memory_space<vmem>>) target_semaphore(%run_scoped3A_155 : memref<!tpu.dma_semaphore, #tpu.memory_space<semaphore_mem>>)
      %dma_wait3A_162 = arith.constant 0 : i32
      %dma_wait3A_163 = tpu.memref_slice %arg2[%run_scoped3A, %select_n3A, %dma_wait3A_162] : memref<2x2500x128xi32, #tpu.memory_space<hbm>> -> memref<1x79x128xi32, #tpu.memory_space<hbm>>
      %dma_wait3A_164 = tpu.memref_squeeze %dma_wait3A_163 : memref<1x79x128xi32, #tpu.memory_space<hbm>> -> memref<79x128xi32, #tpu.memory_space<hbm>>
      %dma_wait3A_165 = arith.constant 0 : i32
      %dma_wait3A_166 = tpu.memref_slice %arg2[%run_scoped3A, %select_n3A, %dma_wait3A_165] : memref<2x2500x128xi32, #tpu.memory_space<hbm>> -> memref<1x79x128xi32, #tpu.memory_space<hbm>>
      %dma_wait3A_167 = tpu.memref_squeeze %dma_wait3A_166 : memref<1x79x128xi32, #tpu.memory_space<hbm>> -> memref<79x128xi32, #tpu.memory_space<hbm>>
      tpu.wait_dma2 semaphore(%run_scoped3A_155 : memref<!tpu.dma_semaphore, #tpu.memory_space<semaphore_mem>>) src(%dma_wait3A_167 : memref<79x128xi32, #tpu.memory_space<hbm>>) dst(%arg6 : memref<79x128xi32, #tpu.memory_space<vmem>>)
      tpu.yield
    }) : () -> ()
    %run_scoped3A_50 = arith.constant 1 : i32
    "tpu.region"() ({
      %run_scoped3A_155 = tpu.sem_alloc : memref<!tpu.dma_semaphore, #tpu.memory_space<semaphore_mem>>
      %dma_start3A_156 = arith.constant 0 : i32
      %dma_start3A_157 = tpu.memref_slice %arg2[%run_scoped3A_50, %select_n3A, %dma_start3A_156] : memref<2x2500x128xi32, #tpu.memory_space<hbm>> -> memref<1x79x128xi32, #tpu.memory_space<hbm>>
      %dma_start3A_158 = tpu.memref_squeeze %dma_start3A_157 : memref<1x79x128xi32, #tpu.memory_space<hbm>> -> memref<79x128xi32, #tpu.memory_space<hbm>>
      %dma_start3A_159 = arith.constant 0 : i32
      %dma_start3A_160 = tpu.memref_slice %arg2[%run_scoped3A_50, %select_n3A, %dma_start3A_159] : memref<2x2500x128xi32, #tpu.memory_space<hbm>> -> memref<1x79x128xi32, #tpu.memory_space<hbm>>
      %dma_start3A_161 = tpu.memref_squeeze %dma_start3A_160 : memref<1x79x128xi32, #tpu.memory_space<hbm>> -> memref<79x128xi32, #tpu.memory_space<hbm>>
      tpu.enqueue_dma source(%dma_start3A_161 : memref<79x128xi32, #tpu.memory_space<hbm>>) target(%arg7 : memref<79x128xi32, #tpu.memory_space<vmem>>) target_semaphore(%run_scoped3A_155 : memref<!tpu.dma_semaphore, #tpu.memory_space<semaphore_mem>>)
      %dma_wait3A_162 = arith.constant 0 : i32
      %dma_wait3A_163 = tpu.memref_slice %arg2[%run_scoped3A_50, %select_n3A, %dma_wait3A_162] : memref<2x2500x128xi32, #tpu.memory_space<hbm>> -> memref<1x79x128xi32, #tpu.memory_space<hbm>>
      %dma_wait3A_164 = tpu.memref_squeeze %dma_wait3A_163 : memref<1x79x128xi32, #tpu.memory_space<hbm>> -> memref<79x128xi32, #tpu.memory_space<hbm>>
      %dma_wait3A_165 = arith.constant 0 : i32
      %dma_wait3A_166 = tpu.memref_slice %arg2[%run_scoped3A_50, %select_n3A, %dma_wait3A_165] : memref<2x2500x128xi32, #tpu.memory_space<hbm>> -> memref<1x79x128xi32, #tpu.memory_space<hbm>>
      %dma_wait3A_167 = tpu.memref_squeeze %dma_wait3A_166 : memref<1x79x128xi32, #tpu.memory_space<hbm>> -> memref<79x128xi32, #tpu.memory_space<hbm>>
      tpu.wait_dma2 semaphore(%run_scoped3A_155 : memref<!tpu.dma_semaphore, #tpu.memory_space<semaphore_mem>>) src(%dma_wait3A_167 : memref<79x128xi32, #tpu.memory_space<hbm>>) dst(%arg7 : memref<79x128xi32, #tpu.memory_space<vmem>>)
      tpu.yield
    }) : () -> ()
    %barrier3A = arith.constant 0 : index
    tpu.barrier barrier_id(%barrier3A)
    %dma_start3A = arith.constant 0 : i32
    %dma_start3A_51 = arith.constant 0 : i32
    %dma_start3A_52 = arith.constant 0 : i32
    %dma_start3A_53 = arith.constant 0 : i32
    %dma_start3A_54 = arith.constant 0 : i32
    %dma_start3A_55 = tpu.memref_slice %arg8[%dma_start3A_51, %dma_start3A_53, %dma_start3A_54] : memref<3x128x64xf32, #tpu.memory_space<vmem>> -> memref<1x128x64xf32, #tpu.memory_space<vmem>>
    %dma_start3A_56 = tpu.memref_squeeze %dma_start3A_55 : memref<1x128x64xf32, #tpu.memory_space<vmem>> -> memref<128x64xf32, #tpu.memory_space<vmem>>
    %dma_start3A_57 = arith.constant 0 : i32
    %dma_start3A_58 = tpu.memref_slice %arg6[%dma_start3A, %dma_start3A_57] : memref<79x128xi32, #tpu.memory_space<vmem>> -> memref<1x128xi32, #tpu.memory_space<vmem>>
    %dma_start3A_59 = tpu.memref_squeeze %dma_start3A_58 : memref<1x128xi32, #tpu.memory_space<vmem>> -> memref<128xi32, #tpu.memory_space<vmem>>
    %dma_start3A_60 = arith.constant 0 : i32
    %dma_start3A_61 = arith.constant 0 : i32
    %dma_start3A_62 = tpu.memref_slice %arg10[%dma_start3A_60, %dma_start3A_61] : memref<10000x64xf32, #tpu.memory_space<vmem_shared>> -> memref<10000x64xf32, #tpu.memory_space<vmem_shared>>
    %dma_start3A_63 = tpu.memref_slice %arg11[%dma_start3A_52] : memref<3x!tpu.dma_semaphore, #tpu.memory_space<semaphore_mem>> -> memref<1x!tpu.dma_semaphore, #tpu.memory_space<semaphore_mem>>
    %dma_start3A_64 = tpu.memref_squeeze %dma_start3A_63 : memref<1x!tpu.dma_semaphore, #tpu.memory_space<semaphore_mem>> -> memref<!tpu.dma_semaphore, #tpu.memory_space<semaphore_mem>>
    tpu.enqueue_indirect_dma source(%dma_start3A_62 : memref<10000x64xf32, #tpu.memory_space<vmem_shared>>) target(%dma_start3A_56 : memref<128x64xf32, #tpu.memory_space<vmem>>) offsets(%dma_start3A_59 : memref<128xi32, #tpu.memory_space<vmem>>) semaphore(%dma_start3A_64 : memref<!tpu.dma_semaphore, #tpu.memory_space<semaphore_mem>>)
    %dma_start3A_65 = arith.constant 1 : i32
    %dma_start3A_66 = arith.constant 1 : i32
    %dma_start3A_67 = arith.constant 1 : i32
    %dma_start3A_68 = arith.constant 0 : i32
    %dma_start3A_69 = arith.constant 0 : i32
    %dma_start3A_70 = tpu.memref_slice %arg8[%dma_start3A_66, %dma_start3A_68, %dma_start3A_69] : memref<3x128x64xf32, #tpu.memory_space<vmem>> -> memref<1x128x64xf32, #tpu.memory_space<vmem>>
    %dma_start3A_71 = tpu.memref_squeeze %dma_start3A_70 : memref<1x128x64xf32, #tpu.memory_space<vmem>> -> memref<128x64xf32, #tpu.memory_space<vmem>>
    %dma_start3A_72 = arith.constant 0 : i32
    %dma_start3A_73 = tpu.memref_slice %arg6[%dma_start3A_65, %dma_start3A_72] : memref<79x128xi32, #tpu.memory_space<vmem>> -> memref<1x128xi32, #tpu.memory_space<vmem>>
    %dma_start3A_74 = tpu.memref_squeeze %dma_start3A_73 : memref<1x128xi32, #tpu.memory_space<vmem>> -> memref<128xi32, #tpu.memory_space<vmem>>
    %dma_start3A_75 = arith.constant 0 : i32
    %dma_start3A_76 = arith.constant 0 : i32
    %dma_start3A_77 = tpu.memref_slice %arg10[%dma_start3A_75, %dma_start3A_76] : memref<10000x64xf32, #tpu.memory_space<vmem_shared>> -> memref<10000x64xf32, #tpu.memory_space<vmem_shared>>
    %dma_start3A_78 = tpu.memref_slice %arg11[%dma_start3A_67] : memref<3x!tpu.dma_semaphore, #tpu.memory_space<semaphore_mem>> -> memref<1x!tpu.dma_semaphore, #tpu.memory_space<semaphore_mem>>
    %dma_start3A_79 = tpu.memref_squeeze %dma_start3A_78 : memref<1x!tpu.dma_semaphore, #tpu.memory_space<semaphore_mem>> -> memref<!tpu.dma_semaphore, #tpu.memory_space<semaphore_mem>>
    tpu.enqueue_indirect_dma source(%dma_start3A_77 : memref<10000x64xf32, #tpu.memory_space<vmem_shared>>) target(%dma_start3A_71 : memref<128x64xf32, #tpu.memory_space<vmem>>) offsets(%dma_start3A_74 : memref<128xi32, #tpu.memory_space<vmem>>) semaphore(%dma_start3A_79 : memref<!tpu.dma_semaphore, #tpu.memory_space<semaphore_mem>>)
    %dma_start3A_80 = arith.constant 2 : i32
    %dma_start3A_81 = arith.constant 2 : i32
    %dma_start3A_82 = arith.constant 2 : i32
    %dma_start3A_83 = arith.constant 0 : i32
    %dma_start3A_84 = arith.constant 0 : i32
    %dma_start3A_85 = tpu.memref_slice %arg8[%dma_start3A_81, %dma_start3A_83, %dma_start3A_84] : memref<3x128x64xf32, #tpu.memory_space<vmem>> -> memref<1x128x64xf32, #tpu.memory_space<vmem>>
    %dma_start3A_86 = tpu.memref_squeeze %dma_start3A_85 : memref<1x128x64xf32, #tpu.memory_space<vmem>> -> memref<128x64xf32, #tpu.memory_space<vmem>>
    %dma_start3A_87 = arith.constant 0 : i32
    %dma_start3A_88 = tpu.memref_slice %arg6[%dma_start3A_80, %dma_start3A_87] : memref<79x128xi32, #tpu.memory_space<vmem>> -> memref<1x128xi32, #tpu.memory_space<vmem>>
    %dma_start3A_89 = tpu.memref_squeeze %dma_start3A_88 : memref<1x128xi32, #tpu.memory_space<vmem>> -> memref<128xi32, #tpu.memory_space<vmem>>
    %dma_start3A_90 = arith.constant 0 : i32
    %dma_start3A_91 = arith.constant 0 : i32
    %dma_start3A_92 = tpu.memref_slice %arg10[%dma_start3A_90, %dma_start3A_91] : memref<10000x64xf32, #tpu.memory_space<vmem_shared>> -> memref<10000x64xf32, #tpu.memory_space<vmem_shared>>
    %dma_start3A_93 = tpu.memref_slice %arg11[%dma_start3A_82] : memref<3x!tpu.dma_semaphore, #tpu.memory_space<semaphore_mem>> -> memref<1x!tpu.dma_semaphore, #tpu.memory_space<semaphore_mem>>
    %dma_start3A_94 = tpu.memref_squeeze %dma_start3A_93 : memref<1x!tpu.dma_semaphore, #tpu.memory_space<semaphore_mem>> -> memref<!tpu.dma_semaphore, #tpu.memory_space<semaphore_mem>>
    tpu.enqueue_indirect_dma source(%dma_start3A_92 : memref<10000x64xf32, #tpu.memory_space<vmem_shared>>) target(%dma_start3A_86 : memref<128x64xf32, #tpu.memory_space<vmem>>) offsets(%dma_start3A_89 : memref<128xi32, #tpu.memory_space<vmem>>) semaphore(%dma_start3A_94 : memref<!tpu.dma_semaphore, #tpu.memory_space<semaphore_mem>>)
    %while3A = arith.constant 0 : i32
    %while3A_95 = arith.constant 0 : i32
    %while3A_96 = arith.subi %sub3A_47, %while3A_95 : i32
    %while3A_97 = arith.addi %while3A_95, %while3A_96 : i32
    %while3A_98 = arith.constant 1 : i32
    %while3A_99 = arith.divsi %while3A_96, %while3A_98 : i32
    %while3A_100 = arith.muli %while3A_99, %while3A_98 : i32
    %while3A_101 = arith.addi %while3A_95, %while3A_100 : i32
    %while3A_102 = arith.constant 1 : i32
    scf.for %while3A_155 = %while3A_95 to %while3A_101 step %while3A_102  : i32 {
      %rem3A_156 = arith.constant 3 : i32
      %rem3A_157 = arith.remsi %while3A_155, %rem3A_156 : i32
      %dma_wait3A_158 = arith.constant 0 : i32
      %dma_wait3A_159 = arith.constant 0 : i32
      %dma_wait3A_160 = arith.constant 0 : i32
      %dma_wait3A_161 = tpu.memref_slice %arg8[%rem3A_157, %dma_wait3A_159, %dma_wait3A_160] : memref<3x128x64xf32, #tpu.memory_space<vmem>> -> memref<1x128x64xf32, #tpu.memory_space<vmem>>
      %dma_wait3A_162 = tpu.memref_squeeze %dma_wait3A_161 : memref<1x128x64xf32, #tpu.memory_space<vmem>> -> memref<128x64xf32, #tpu.memory_space<vmem>>
      %dma_wait3A_163 = arith.constant 0 : i32
      %dma_wait3A_164 = tpu.memref_slice %arg6[%dma_wait3A_158, %dma_wait3A_163] : memref<79x128xi32, #tpu.memory_space<vmem>> -> memref<1x128xi32, #tpu.memory_space<vmem>>
      %dma_wait3A_165 = tpu.memref_squeeze %dma_wait3A_164 : memref<1x128xi32, #tpu.memory_space<vmem>> -> memref<128xi32, #tpu.memory_space<vmem>>
      %dma_wait3A_166 = arith.constant 0 : i32
      %dma_wait3A_167 = arith.constant 0 : i32
      %dma_wait3A_168 = tpu.memref_slice %arg3[%dma_wait3A_166, %dma_wait3A_167] : memref<10000x64xf32, #tpu.memory_space<hbm>> -> memref<10000x64xf32, #tpu.memory_space<hbm>>
      %dma_wait3A_169 = tpu.memref_slice %arg11[%rem3A_157] : memref<3x!tpu.dma_semaphore, #tpu.memory_space<semaphore_mem>> -> memref<1x!tpu.dma_semaphore, #tpu.memory_space<semaphore_mem>>
      %dma_wait3A_170 = tpu.memref_squeeze %dma_wait3A_169 : memref<1x!tpu.dma_semaphore, #tpu.memory_space<semaphore_mem>> -> memref<!tpu.dma_semaphore, #tpu.memory_space<semaphore_mem>>
      tpu.wait_indirect_dma semaphore(%dma_wait3A_170 : memref<!tpu.dma_semaphore, #tpu.memory_space<semaphore_mem>>) src(%dma_wait3A_168 : memref<10000x64xf32, #tpu.memory_space<hbm>>) dst(%dma_wait3A_162 : memref<128x64xf32, #tpu.memory_space<vmem>>)
      %dma_start3A_171 = arith.constant 0 : i32
      %dma_start3A_172 = arith.constant 0 : i32
      %dma_start3A_173 = tpu.memref_slice %arg8[%rem3A_157, %dma_start3A_171, %dma_start3A_172] : memref<3x128x64xf32, #tpu.memory_space<vmem>> -> memref<1x128x64xf32, #tpu.memory_space<vmem>>
      %dma_start3A_174 = tpu.memref_squeeze %dma_start3A_173 : memref<1x128x64xf32, #tpu.memory_space<vmem>> -> memref<128x64xf32, #tpu.memory_space<vmem>>
      %dma_start3A_175 = arith.constant 0 : i32
      %dma_start3A_176 = tpu.memref_slice %arg7[%while3A_155, %dma_start3A_175] : memref<79x128xi32, #tpu.memory_space<vmem>> -> memref<1x128xi32, #tpu.memory_space<vmem>>
      %dma_start3A_177 = tpu.memref_squeeze %dma_start3A_176 : memref<1x128xi32, #tpu.memory_space<vmem>> -> memref<128xi32, #tpu.memory_space<vmem>>
      %dma_start3A_178 = arith.constant 0 : i32
      %dma_start3A_179 = arith.constant 0 : i32
      %dma_start3A_180 = tpu.memref_slice %arg9[%dma_start3A_178, %dma_start3A_179] : memref<10000x64xf32, #tpu.memory_space<vmem_shared>> -> memref<10000x64xf32, #tpu.memory_space<vmem_shared>>
      %dma_start3A_181 = tpu.memref_slice %arg12[%rem3A_157] : memref<3x!tpu.dma_semaphore, #tpu.memory_space<semaphore_mem>> -> memref<1x!tpu.dma_semaphore, #tpu.memory_space<semaphore_mem>>
      %dma_start3A_182 = tpu.memref_squeeze %dma_start3A_181 : memref<1x!tpu.dma_semaphore, #tpu.memory_space<semaphore_mem>> -> memref<!tpu.dma_semaphore, #tpu.memory_space<semaphore_mem>>
      tpu.enqueue_indirect_dma source(%dma_start3A_174 : memref<128x64xf32, #tpu.memory_space<vmem>>) target(%dma_start3A_180 : memref<10000x64xf32, #tpu.memory_space<vmem_shared>>) offsets(%dma_start3A_177 : memref<128xi32, #tpu.memory_space<vmem>>) semaphore(%dma_start3A_182 : memref<!tpu.dma_semaphore, #tpu.memory_space<semaphore_mem>>) {add = true}
      %add3A_183 = arith.constant 2 : i32
      %add3A_184 = arith.addi %while3A_155, %add3A_183 : i32
      %rem3A_185 = arith.constant 3 : i32
      %rem3A_186 = arith.remsi %add3A_184, %rem3A_185 : i32
      %ge3A = arith.constant 1 : i32
      %ge3A_187 = arith.cmpi sge, %while3A_155, %ge3A : i32
      %convert_element_type3A = arith.extui %ge3A_187 : i1 to i32
      %cond3A = arith.constant 0 : i32
      %cond3A_188 = arith.cmpi ne, %convert_element_type3A, %cond3A : i32
      scf.if %cond3A_188 {
        %dma_wait3A_189 = arith.constant 0 : i32
        %dma_wait3A_190 = arith.constant 0 : i32
        %dma_wait3A_191 = arith.constant 0 : i32
        %dma_wait3A_192 = tpu.memref_slice %arg8[%rem3A_186, %dma_wait3A_190, %dma_wait3A_191] : memref<3x128x64xf32, #tpu.memory_space<vmem>> -> memref<1x128x64xf32, #tpu.memory_space<vmem>>
        %dma_wait3A_193 = tpu.memref_squeeze %dma_wait3A_192 : memref<1x128x64xf32, #tpu.memory_space<vmem>> -> memref<128x64xf32, #tpu.memory_space<vmem>>
        %dma_wait3A_194 = arith.constant 0 : i32
        %dma_wait3A_195 = tpu.memref_slice %arg7[%dma_wait3A_189, %dma_wait3A_194] : memref<79x128xi32, #tpu.memory_space<vmem>> -> memref<1x128xi32, #tpu.memory_space<vmem>>
        %dma_wait3A_196 = tpu.memref_squeeze %dma_wait3A_195 : memref<1x128xi32, #tpu.memory_space<vmem>> -> memref<128xi32, #tpu.memory_space<vmem>>
        %dma_wait3A_197 = arith.constant 0 : i32
        %dma_wait3A_198 = arith.constant 0 : i32
        %dma_wait3A_199 = tpu.memref_slice %arg9[%dma_wait3A_197, %dma_wait3A_198] : memref<10000x64xf32, #tpu.memory_space<vmem_shared>> -> memref<10000x64xf32, #tpu.memory_space<vmem_shared>>
        %dma_wait3A_200 = tpu.memref_slice %arg12[%rem3A_186] : memref<3x!tpu.dma_semaphore, #tpu.memory_space<semaphore_mem>> -> memref<1x!tpu.dma_semaphore, #tpu.memory_space<semaphore_mem>>
        %dma_wait3A_201 = tpu.memref_squeeze %dma_wait3A_200 : memref<1x!tpu.dma_semaphore, #tpu.memory_space<semaphore_mem>> -> memref<!tpu.dma_semaphore, #tpu.memory_space<semaphore_mem>>
        tpu.wait_indirect_dma semaphore(%dma_wait3A_201 : memref<!tpu.dma_semaphore, #tpu.memory_space<semaphore_mem>>) src(%dma_wait3A_193 : memref<128x64xf32, #tpu.memory_space<vmem>>) dst(%dma_wait3A_199 : memref<10000x64xf32, #tpu.memory_space<vmem_shared>>)
        %add3A_202 = arith.constant 2 : i32
        %add3A_203 = arith.addi %while3A_155, %add3A_202 : i32
        %rem3A_204 = arith.remsi %add3A_203, %sub3A_47 : i32
        %dma_start3A_205 = arith.constant 0 : i32
        %dma_start3A_206 = arith.constant 0 : i32
        %dma_start3A_207 = tpu.memref_slice %arg8[%rem3A_186, %dma_start3A_205, %dma_start3A_206] : memref<3x128x64xf32, #tpu.memory_space<vmem>> -> memref<1x128x64xf32, #tpu.memory_space<vmem>>
        %dma_start3A_208 = tpu.memref_squeeze %dma_start3A_207 : memref<1x128x64xf32, #tpu.memory_space<vmem>> -> memref<128x64xf32, #tpu.memory_space<vmem>>
        %dma_start3A_209 = arith.constant 0 : i32
        %dma_start3A_210 = tpu.memref_slice %arg6[%rem3A_204, %dma_start3A_209] : memref<79x128xi32, #tpu.memory_space<vmem>> -> memref<1x128xi32, #tpu.memory_space<vmem>>
        %dma_start3A_211 = tpu.memref_squeeze %dma_start3A_210 : memref<1x128xi32, #tpu.memory_space<vmem>> -> memref<128xi32, #tpu.memory_space<vmem>>
        %dma_start3A_212 = arith.constant 0 : i32
        %dma_start3A_213 = arith.constant 0 : i32
        %dma_start3A_214 = tpu.memref_slice %arg10[%dma_start3A_212, %dma_start3A_213] : memref<10000x64xf32, #tpu.memory_space<vmem_shared>> -> memref<10000x64xf32, #tpu.memory_space<vmem_shared>>
        %dma_start3A_215 = tpu.memref_slice %arg11[%rem3A_186] : memref<3x!tpu.dma_semaphore, #tpu.memory_space<semaphore_mem>> -> memref<1x!tpu.dma_semaphore, #tpu.memory_space<semaphore_mem>>
        %dma_start3A_216 = tpu.memref_squeeze %dma_start3A_215 : memref<1x!tpu.dma_semaphore, #tpu.memory_space<semaphore_mem>> -> memref<!tpu.dma_semaphore, #tpu.memory_space<semaphore_mem>>
        tpu.enqueue_indirect_dma source(%dma_start3A_214 : memref<10000x64xf32, #tpu.memory_space<vmem_shared>>) target(%dma_start3A_208 : memref<128x64xf32, #tpu.memory_space<vmem>>) offsets(%dma_start3A_211 : memref<128xi32, #tpu.memory_space<vmem>>) semaphore(%dma_start3A_216 : memref<!tpu.dma_semaphore, #tpu.memory_space<semaphore_mem>>)
      } else {
      }
    }
    %while3A_103 = arith.constant 1 : i32
    scf.for %while3A_155 = %while3A_101 to %while3A_97 step %while3A_103  : i32 {
      %rem3A_156 = arith.constant 3 : i32
      %rem3A_157 = arith.remsi %while3A_155, %rem3A_156 : i32
      %dma_wait3A_158 = arith.constant 0 : i32
      %dma_wait3A_159 = arith.constant 0 : i32
      %dma_wait3A_160 = arith.constant 0 : i32
      %dma_wait3A_161 = tpu.memref_slice %arg8[%rem3A_157, %dma_wait3A_159, %dma_wait3A_160] : memref<3x128x64xf32, #tpu.memory_space<vmem>> -> memref<1x128x64xf32, #tpu.memory_space<vmem>>
      %dma_wait3A_162 = tpu.memref_squeeze %dma_wait3A_161 : memref<1x128x64xf32, #tpu.memory_space<vmem>> -> memref<128x64xf32, #tpu.memory_space<vmem>>
      %dma_wait3A_163 = arith.constant 0 : i32
      %dma_wait3A_164 = tpu.memref_slice %arg6[%dma_wait3A_158, %dma_wait3A_163] : memref<79x128xi32, #tpu.memory_space<vmem>> -> memref<1x128xi32, #tpu.memory_space<vmem>>
      %dma_wait3A_165 = tpu.memref_squeeze %dma_wait3A_164 : memref<1x128xi32, #tpu.memory_space<vmem>> -> memref<128xi32, #tpu.memory_space<vmem>>
      %dma_wait3A_166 = arith.constant 0 : i32
      %dma_wait3A_167 = arith.constant 0 : i32
      %dma_wait3A_168 = tpu.memref_slice %arg3[%dma_wait3A_166, %dma_wait3A_167] : memref<10000x64xf32, #tpu.memory_space<hbm>> -> memref<10000x64xf32, #tpu.memory_space<hbm>>
      %dma_wait3A_169 = tpu.memref_slice %arg11[%rem3A_157] : memref<3x!tpu.dma_semaphore, #tpu.memory_space<semaphore_mem>> -> memref<1x!tpu.dma_semaphore, #tpu.memory_space<semaphore_mem>>
      %dma_wait3A_170 = tpu.memref_squeeze %dma_wait3A_169 : memref<1x!tpu.dma_semaphore, #tpu.memory_space<semaphore_mem>> -> memref<!tpu.dma_semaphore, #tpu.memory_space<semaphore_mem>>
      tpu.wait_indirect_dma semaphore(%dma_wait3A_170 : memref<!tpu.dma_semaphore, #tpu.memory_space<semaphore_mem>>) src(%dma_wait3A_168 : memref<10000x64xf32, #tpu.memory_space<hbm>>) dst(%dma_wait3A_162 : memref<128x64xf32, #tpu.memory_space<vmem>>)
      %dma_start3A_171 = arith.constant 0 : i32
      %dma_start3A_172 = arith.constant 0 : i32
      %dma_start3A_173 = tpu.memref_slice %arg8[%rem3A_157, %dma_start3A_171, %dma_start3A_172] : memref<3x128x64xf32, #tpu.memory_space<vmem>> -> memref<1x128x64xf32, #tpu.memory_space<vmem>>
      %dma_start3A_174 = tpu.memref_squeeze %dma_start3A_173 : memref<1x128x64xf32, #tpu.memory_space<vmem>> -> memref<128x64xf32, #tpu.memory_space<vmem>>
      %dma_start3A_175 = arith.constant 0 : i32
      %dma_start3A_176 = tpu.memref_slice %arg7[%while3A_155, %dma_start3A_175] : memref<79x128xi32, #tpu.memory_space<vmem>> -> memref<1x128xi32, #tpu.memory_space<vmem>>
      %dma_start3A_177 = tpu.memref_squeeze %dma_start3A_176 : memref<1x128xi32, #tpu.memory_space<vmem>> -> memref<128xi32, #tpu.memory_space<vmem>>
      %dma_start3A_178 = arith.constant 0 : i32
      %dma_start3A_179 = arith.constant 0 : i32
      %dma_start3A_180 = tpu.memref_slice %arg9[%dma_start3A_178, %dma_start3A_179] : memref<10000x64xf32, #tpu.memory_space<vmem_shared>> -> memref<10000x64xf32, #tpu.memory_space<vmem_shared>>
      %dma_start3A_181 = tpu.memref_slice %arg12[%rem3A_157] : memref<3x!tpu.dma_semaphore, #tpu.memory_space<semaphore_mem>> -> memref<1x!tpu.dma_semaphore, #tpu.memory_space<semaphore_mem>>
      %dma_start3A_182 = tpu.memref_squeeze %dma_start3A_181 : memref<1x!tpu.dma_semaphore, #tpu.memory_space<semaphore_mem>> -> memref<!tpu.dma_semaphore, #tpu.memory_space<semaphore_mem>>
      tpu.enqueue_indirect_dma source(%dma_start3A_174 : memref<128x64xf32, #tpu.memory_space<vmem>>) target(%dma_start3A_180 : memref<10000x64xf32, #tpu.memory_space<vmem_shared>>) offsets(%dma_start3A_177 : memref<128xi32, #tpu.memory_space<vmem>>) semaphore(%dma_start3A_182 : memref<!tpu.dma_semaphore, #tpu.memory_space<semaphore_mem>>) {add = true}
      %add3A_183 = arith.constant 2 : i32
      %add3A_184 = arith.addi %while3A_155, %add3A_183 : i32
      %rem3A_185 = arith.constant 3 : i32
      %rem3A_186 = arith.remsi %add3A_184, %rem3A_185 : i32
      %ge3A = arith.constant 1 : i32
      %ge3A_187 = arith.cmpi sge, %while3A_155, %ge3A : i32
      %convert_element_type3A = arith.extui %ge3A_187 : i1 to i32
      %cond3A = arith.constant 0 : i32
      %cond3A_188 = arith.cmpi ne, %convert_element_type3A, %cond3A : i32
      scf.if %cond3A_188 {
        %dma_wait3A_189 = arith.constant 0 : i32
        %dma_wait3A_190 = arith.constant 0 : i32
        %dma_wait3A_191 = arith.constant 0 : i32
        %dma_wait3A_192 = tpu.memref_slice %arg8[%rem3A_186, %dma_wait3A_190, %dma_wait3A_191] : memref<3x128x64xf32, #tpu.memory_space<vmem>> -> memref<1x128x64xf32, #tpu.memory_space<vmem>>
        %dma_wait3A_193 = tpu.memref_squeeze %dma_wait3A_192 : memref<1x128x64xf32, #tpu.memory_space<vmem>> -> memref<128x64xf32, #tpu.memory_space<vmem>>
        %dma_wait3A_194 = arith.constant 0 : i32
        %dma_wait3A_195 = tpu.memref_slice %arg7[%dma_wait3A_189, %dma_wait3A_194] : memref<79x128xi32, #tpu.memory_space<vmem>> -> memref<1x128xi32, #tpu.memory_space<vmem>>
        %dma_wait3A_196 = tpu.memref_squeeze %dma_wait3A_195 : memref<1x128xi32, #tpu.memory_space<vmem>> -> memref<128xi32, #tpu.memory_space<vmem>>
        %dma_wait3A_197 = arith.constant 0 : i32
        %dma_wait3A_198 = arith.constant 0 : i32
        %dma_wait3A_199 = tpu.memref_slice %arg9[%dma_wait3A_197, %dma_wait3A_198] : memref<10000x64xf32, #tpu.memory_space<vmem_shared>> -> memref<10000x64xf32, #tpu.memory_space<vmem_shared>>
        %dma_wait3A_200 = tpu.memref_slice %arg12[%rem3A_186] : memref<3x!tpu.dma_semaphore, #tpu.memory_space<semaphore_mem>> -> memref<1x!tpu.dma_semaphore, #tpu.memory_space<semaphore_mem>>
        %dma_wait3A_201 = tpu.memref_squeeze %dma_wait3A_200 : memref<1x!tpu.dma_semaphore, #tpu.memory_space<semaphore_mem>> -> memref<!tpu.dma_semaphore, #tpu.memory_space<semaphore_mem>>
        tpu.wait_indirect_dma semaphore(%dma_wait3A_201 : memref<!tpu.dma_semaphore, #tpu.memory_space<semaphore_mem>>) src(%dma_wait3A_193 : memref<128x64xf32, #tpu.memory_space<vmem>>) dst(%dma_wait3A_199 : memref<10000x64xf32, #tpu.memory_space<vmem_shared>>)
        %add3A_202 = arith.constant 2 : i32
        %add3A_203 = arith.addi %while3A_155, %add3A_202 : i32
        %rem3A_204 = arith.remsi %add3A_203, %sub3A_47 : i32
        %dma_start3A_205 = arith.constant 0 : i32
        %dma_start3A_206 = arith.constant 0 : i32
        %dma_start3A_207 = tpu.memref_slice %arg8[%rem3A_186, %dma_start3A_205, %dma_start3A_206] : memref<3x128x64xf32, #tpu.memory_space<vmem>> -> memref<1x128x64xf32, #tpu.memory_space<vmem>>
        %dma_start3A_208 = tpu.memref_squeeze %dma_start3A_207 : memref<1x128x64xf32, #tpu.memory_space<vmem>> -> memref<128x64xf32, #tpu.memory_space<vmem>>
        %dma_start3A_209 = arith.constant 0 : i32
        %dma_start3A_210 = tpu.memref_slice %arg6[%rem3A_204, %dma_start3A_209] : memref<79x128xi32, #tpu.memory_space<vmem>> -> memref<1x128xi32, #tpu.memory_space<vmem>>
        %dma_start3A_211 = tpu.memref_squeeze %dma_start3A_210 : memref<1x128xi32, #tpu.memory_space<vmem>> -> memref<128xi32, #tpu.memory_space<vmem>>
        %dma_start3A_212 = arith.constant 0 : i32
        %dma_start3A_213 = arith.constant 0 : i32
        %dma_start3A_214 = tpu.memref_slice %arg10[%dma_start3A_212, %dma_start3A_213] : memref<10000x64xf32, #tpu.memory_space<vmem_shared>> -> memref<10000x64xf32, #tpu.memory_space<vmem_shared>>
        %dma_start3A_215 = tpu.memref_slice %arg11[%rem3A_186] : memref<3x!tpu.dma_semaphore, #tpu.memory_space<semaphore_mem>> -> memref<1x!tpu.dma_semaphore, #tpu.memory_space<semaphore_mem>>
        %dma_start3A_216 = tpu.memref_squeeze %dma_start3A_215 : memref<1x!tpu.dma_semaphore, #tpu.memory_space<semaphore_mem>> -> memref<!tpu.dma_semaphore, #tpu.memory_space<semaphore_mem>>
        tpu.enqueue_indirect_dma source(%dma_start3A_214 : memref<10000x64xf32, #tpu.memory_space<vmem_shared>>) target(%dma_start3A_208 : memref<128x64xf32, #tpu.memory_space<vmem>>) offsets(%dma_start3A_211 : memref<128xi32, #tpu.memory_space<vmem>>) semaphore(%dma_start3A_216 : memref<!tpu.dma_semaphore, #tpu.memory_space<semaphore_mem>>)
      } else {
      }
    }
    %add3A_104 = arith.constant 2 : i32
    %add3A_105 = arith.addi %sub3A_47, %add3A_104 : i32
    %rem3A_106 = arith.constant 3 : i32
    %rem3A_107 = arith.remsi %add3A_105, %rem3A_106 : i32
    %dma_wait3A = arith.constant 0 : i32
    %dma_wait3A_108 = arith.constant 0 : i32
    %dma_wait3A_109 = arith.constant 0 : i32
    %dma_wait3A_110 = tpu.memref_slice %arg8[%rem3A_107, %dma_wait3A_108, %dma_wait3A_109] : memref<3x128x64xf32, #tpu.memory_space<vmem>> -> memref<1x128x64xf32, #tpu.memory_space<vmem>>
    %dma_wait3A_111 = tpu.memref_squeeze %dma_wait3A_110 : memref<1x128x64xf32, #tpu.memory_space<vmem>> -> memref<128x64xf32, #tpu.memory_space<vmem>>
    %dma_wait3A_112 = arith.constant 0 : i32
    %dma_wait3A_113 = tpu.memref_slice %arg7[%dma_wait3A, %dma_wait3A_112] : memref<79x128xi32, #tpu.memory_space<vmem>> -> memref<1x128xi32, #tpu.memory_space<vmem>>
    %dma_wait3A_114 = tpu.memref_squeeze %dma_wait3A_113 : memref<1x128xi32, #tpu.memory_space<vmem>> -> memref<128xi32, #tpu.memory_space<vmem>>
    %dma_wait3A_115 = arith.constant 0 : i32
    %dma_wait3A_116 = arith.constant 0 : i32
    %dma_wait3A_117 = tpu.memref_slice %arg9[%dma_wait3A_115, %dma_wait3A_116] : memref<10000x64xf32, #tpu.memory_space<vmem_shared>> -> memref<10000x64xf32, #tpu.memory_space<vmem_shared>>
    %dma_wait3A_118 = tpu.memref_slice %arg12[%rem3A_107] : memref<3x!tpu.dma_semaphore, #tpu.memory_space<semaphore_mem>> -> memref<1x!tpu.dma_semaphore, #tpu.memory_space<semaphore_mem>>
    %dma_wait3A_119 = tpu.memref_squeeze %dma_wait3A_118 : memref<1x!tpu.dma_semaphore, #tpu.memory_space<semaphore_mem>> -> memref<!tpu.dma_semaphore, #tpu.memory_space<semaphore_mem>>
    tpu.wait_indirect_dma semaphore(%dma_wait3A_119 : memref<!tpu.dma_semaphore, #tpu.memory_space<semaphore_mem>>) src(%dma_wait3A_111 : memref<128x64xf32, #tpu.memory_space<vmem>>) dst(%dma_wait3A_117 : memref<10000x64xf32, #tpu.memory_space<vmem_shared>>)
    %add3A_120 = arith.constant 0 : i32
    %add3A_121 = arith.addi %sub3A_47, %add3A_120 : i32
    %rem3A_122 = arith.constant 3 : i32
    %rem3A_123 = arith.remsi %add3A_121, %rem3A_122 : i32
    %dma_wait3A_124 = arith.constant 0 : i32
    %dma_wait3A_125 = arith.constant 0 : i32
    %dma_wait3A_126 = arith.constant 0 : i32
    %dma_wait3A_127 = tpu.memref_slice %arg8[%rem3A_123, %dma_wait3A_125, %dma_wait3A_126] : memref<3x128x64xf32, #tpu.memory_space<vmem>> -> memref<1x128x64xf32, #tpu.memory_space<vmem>>
    %dma_wait3A_128 = tpu.memref_squeeze %dma_wait3A_127 : memref<1x128x64xf32, #tpu.memory_space<vmem>> -> memref<128x64xf32, #tpu.memory_space<vmem>>
    %dma_wait3A_129 = arith.constant 0 : i32
    %dma_wait3A_130 = tpu.memref_slice %arg6[%dma_wait3A_124, %dma_wait3A_129] : memref<79x128xi32, #tpu.memory_space<vmem>> -> memref<1x128xi32, #tpu.memory_space<vmem>>
    %dma_wait3A_131 = tpu.memref_squeeze %dma_wait3A_130 : memref<1x128xi32, #tpu.memory_space<vmem>> -> memref<128xi32, #tpu.memory_space<vmem>>
    %dma_wait3A_132 = arith.constant 0 : i32
    %dma_wait3A_133 = arith.constant 0 : i32
    %dma_wait3A_134 = tpu.memref_slice %arg3[%dma_wait3A_132, %dma_wait3A_133] : memref<10000x64xf32, #tpu.memory_space<hbm>> -> memref<10000x64xf32, #tpu.memory_space<hbm>>
    %dma_wait3A_135 = tpu.memref_slice %arg11[%rem3A_123] : memref<3x!tpu.dma_semaphore, #tpu.memory_space<semaphore_mem>> -> memref<1x!tpu.dma_semaphore, #tpu.memory_space<semaphore_mem>>
    %dma_wait3A_136 = tpu.memref_squeeze %dma_wait3A_135 : memref<1x!tpu.dma_semaphore, #tpu.memory_space<semaphore_mem>> -> memref<!tpu.dma_semaphore, #tpu.memory_space<semaphore_mem>>
    tpu.wait_indirect_dma semaphore(%dma_wait3A_136 : memref<!tpu.dma_semaphore, #tpu.memory_space<semaphore_mem>>) src(%dma_wait3A_134 : memref<10000x64xf32, #tpu.memory_space<hbm>>) dst(%dma_wait3A_128 : memref<128x64xf32, #tpu.memory_space<vmem>>)
    %add3A_137 = arith.constant 1 : i32
    %add3A_138 = arith.addi %sub3A_47, %add3A_137 : i32
    %rem3A_139 = arith.constant 3 : i32
    %rem3A_140 = arith.remsi %add3A_138, %rem3A_139 : i32
    %dma_wait3A_141 = arith.constant 0 : i32
    %dma_wait3A_142 = arith.constant 0 : i32
    %dma_wait3A_143 = arith.constant 0 : i32
    %dma_wait3A_144 = tpu.memref_slice %arg8[%rem3A_140, %dma_wait3A_142, %dma_wait3A_143] : memref<3x128x64xf32, #tpu.memory_space<vmem>> -> memref<1x128x64xf32, #tpu.memory_space<vmem>>
    %dma_wait3A_145 = tpu.memref_squeeze %dma_wait3A_144 : memref<1x128x64xf32, #tpu.memory_space<vmem>> -> memref<128x64xf32, #tpu.memory_space<vmem>>
    %dma_wait3A_146 = arith.constant 0 : i32
    %dma_wait3A_147 = tpu.memref_slice %arg6[%dma_wait3A_141, %dma_wait3A_146] : memref<79x128xi32, #tpu.memory_space<vmem>> -> memref<1x128xi32, #tpu.memory_space<vmem>>
    %dma_wait3A_148 = tpu.memref_squeeze %dma_wait3A_147 : memref<1x128xi32, #tpu.memory_space<vmem>> -> memref<128xi32, #tpu.memory_space<vmem>>
    %dma_wait3A_149 = arith.constant 0 : i32
    %dma_wait3A_150 = arith.constant 0 : i32
    %dma_wait3A_151 = tpu.memref_slice %arg3[%dma_wait3A_149, %dma_wait3A_150] : memref<10000x64xf32, #tpu.memory_space<hbm>> -> memref<10000x64xf32, #tpu.memory_space<hbm>>
    %dma_wait3A_152 = tpu.memref_slice %arg11[%rem3A_140] : memref<3x!tpu.dma_semaphore, #tpu.memory_space<semaphore_mem>> -> memref<1x!tpu.dma_semaphore, #tpu.memory_space<semaphore_mem>>
    %dma_wait3A_153 = tpu.memref_squeeze %dma_wait3A_152 : memref<1x!tpu.dma_semaphore, #tpu.memory_space<semaphore_mem>> -> memref<!tpu.dma_semaphore, #tpu.memory_space<semaphore_mem>>
    tpu.wait_indirect_dma semaphore(%dma_wait3A_153 : memref<!tpu.dma_semaphore, #tpu.memory_space<semaphore_mem>>) src(%dma_wait3A_151 : memref<10000x64xf32, #tpu.memory_space<hbm>>) dst(%dma_wait3A_145 : memref<128x64xf32, #tpu.memory_space<vmem>>)
    %barrier3A_154 = arith.constant 0 : index
    tpu.barrier barrier_id(%barrier3A_154)
    "tpu.region"() ({
      %run_scoped3A_155 = tpu.sem_alloc : memref<!tpu.dma_semaphore, #tpu.memory_space<semaphore_mem>>
      %dma_start3A_156 = arith.constant 0 : i32
      %dma_start3A_157 = tpu.memref_slice %arg5[%arg0, %mul3A_49, %dma_start3A_156] : memref<2x10000x64xf32, #tpu.memory_space<hbm>> -> memref<1x625x64xf32, #tpu.memory_space<hbm>>
      %dma_start3A_158 = tpu.memref_squeeze %dma_start3A_157 : memref<1x625x64xf32, #tpu.memory_space<hbm>> -> memref<625x64xf32, #tpu.memory_space<hbm>>
      %dma_start3A_159 = arith.constant 0 : i32
      %dma_start3A_160 = tpu.memref_slice %arg9[%mul3A_49, %dma_start3A_159] : memref<10000x64xf32, #tpu.memory_space<vmem_shared>> -> memref<625x64xf32, #tpu.memory_space<vmem_shared>>
      tpu.enqueue_dma source(%dma_start3A_160 : memref<625x64xf32, #tpu.memory_space<vmem_shared>>) target(%dma_start3A_158 : memref<625x64xf32, #tpu.memory_space<hbm>>) target_semaphore(%run_scoped3A_155 : memref<!tpu.dma_semaphore, #tpu.memory_space<semaphore_mem>>)
      %dma_wait3A_161 = arith.constant 0 : i32
      %dma_wait3A_162 = tpu.memref_slice %arg5[%arg0, %mul3A_49, %dma_wait3A_161] : memref<2x10000x64xf32, #tpu.memory_space<hbm>> -> memref<1x625x64xf32, #tpu.memory_space<hbm>>
      %dma_wait3A_163 = tpu.memref_squeeze %dma_wait3A_162 : memref<1x625x64xf32, #tpu.memory_space<hbm>> -> memref<625x64xf32, #tpu.memory_space<hbm>>
      %dma_wait3A_164 = arith.constant 0 : i32
      %dma_wait3A_165 = tpu.memref_slice %arg9[%mul3A_49, %dma_wait3A_164] : memref<10000x64xf32, #tpu.memory_space<vmem_shared>> -> memref<625x64xf32, #tpu.memory_space<vmem_shared>>
      tpu.wait_dma2 semaphore(%run_scoped3A_155 : memref<!tpu.dma_semaphore, #tpu.memory_space<semaphore_mem>>) src(%dma_wait3A_165 : memref<625x64xf32, #tpu.memory_space<vmem_shared>>) dst(%dma_wait3A_163 : memref<625x64xf32, #tpu.memory_space<hbm>>)
      tpu.yield
    }) : () -> ()
    return
  }
}

#map = affine_map<(d0, d1) -> (0, 0, 0)>
#map1 = affine_map<(d0, d1) -> (0)>
#map2 = affine_map<(d0, d1) -> (0, 0)>
module attributes {stable_mosaic.version = 14 : i64} {
  func.func @_cnt_kernel(%arg0: i32, %arg1: i32, %arg2: memref<2x2500x128xi32, #tpu.memory_space<hbm>>, %arg3: memref<128xf32, #tpu.memory_space<hbm>>, %arg4: memref<10000xf32, #tpu.memory_space<hbm>>, %arg5: memref<2x10000xf32, #tpu.memory_space<hbm>>, %arg6: memref<79x128xi32, #tpu.memory_space<vmem>>, %arg7: memref<128xf32, #tpu.memory_space<vmem>>, %arg8: memref<10000xf32, #tpu.memory_space<vmem_shared>>, %arg9: memref<2x!tpu.dma_semaphore, #tpu.memory_space<semaphore_mem>>) attributes {dimension_semantics = [#tpu.dimension_semantics<core_parallel>, #tpu.dimension_semantics<subcore_parallel>], iteration_bounds = array<i64: 2, 16>, scalar_prefetch = 0 : i64, scratch_operands = 4 : i64, tpu.core_type = #tpu.core_type<sc_vector_subcore>, window_params = [{transform_indices = #map}, {transform_indices = #map1}, {transform_indices = #map1}, {transform_indices = #map2}]} {
    %mul3A = arith.constant 2 : i32
    %mul3A_0 = arith.muli %arg1, %mul3A : i32
    %add3A = arith.addi %mul3A_0, %arg0 : i32
    %mul3A_1 = arith.constant 2500 : i32
    %mul3A_2 = arith.muli %add3A, %mul3A_1 : i32
    %jit3A = arith.constant 32 : i32
    %div3A = arith.divsi %mul3A_2, %jit3A : i32
    %sign3A = arith.constant 0 : i32
    %sign3A_3 = arith.cmpi sgt, %mul3A_2, %sign3A : i32
    %sign3A_4 = arith.extui %sign3A_3 : i1 to i32
    %sign3A_5 = arith.constant 0 : i32
    %sign3A_6 = arith.cmpi slt, %mul3A_2, %sign3A_5 : i32
    %sign3A_7 = arith.extui %sign3A_6 : i1 to i32
    %sign3A_8 = arith.subi %sign3A_4, %sign3A_7 : i32
    %sign3A_9 = arith.constant 0 : i32
    %sign3A_10 = arith.cmpi sgt, %jit3A, %sign3A_9 : i32
    %sign3A_11 = arith.extui %sign3A_10 : i1 to i32
    %sign3A_12 = arith.constant 0 : i32
    %sign3A_13 = arith.cmpi slt, %jit3A, %sign3A_12 : i32
    %sign3A_14 = arith.extui %sign3A_13 : i1 to i32
    %sign3A_15 = arith.subi %sign3A_11, %sign3A_14 : i32
    %ne3A = arith.cmpi ne, %sign3A_8, %sign3A_15 : i32
    %rem3A = arith.remsi %mul3A_2, %jit3A : i32
    %ne3A_16 = arith.constant 0 : i32
    %ne3A_17 = arith.cmpi ne, %rem3A, %ne3A_16 : i32
    %and3A = arith.andi %ne3A, %ne3A_17 : i1
    %sub3A = arith.constant 1 : i32
    %sub3A_18 = arith.subi %div3A, %sub3A : i32
    %select_n3A = arith.select %and3A, %sub3A_18, %div3A : i32
    %add3A_19 = arith.constant 1 : i32
    %add3A_20 = arith.addi %add3A, %add3A_19 : i32
    %mul3A_21 = arith.constant 2500 : i32
    %mul3A_22 = arith.muli %add3A_20, %mul3A_21 : i32
    %jit3A_23 = arith.constant 32 : i32
    %div3A_24 = arith.divsi %mul3A_22, %jit3A_23 : i32
    %sign3A_25 = arith.constant 0 : i32
    %sign3A_26 = arith.cmpi sgt, %mul3A_22, %sign3A_25 : i32
    %sign3A_27 = arith.extui %sign3A_26 : i1 to i32
    %sign3A_28 = arith.constant 0 : i32
    %sign3A_29 = arith.cmpi slt, %mul3A_22, %sign3A_28 : i32
    %sign3A_30 = arith.extui %sign3A_29 : i1 to i32
    %sign3A_31 = arith.subi %sign3A_27, %sign3A_30 : i32
    %sign3A_32 = arith.constant 0 : i32
    %sign3A_33 = arith.cmpi sgt, %jit3A_23, %sign3A_32 : i32
    %sign3A_34 = arith.extui %sign3A_33 : i1 to i32
    %sign3A_35 = arith.constant 0 : i32
    %sign3A_36 = arith.cmpi slt, %jit3A_23, %sign3A_35 : i32
    %sign3A_37 = arith.extui %sign3A_36 : i1 to i32
    %sign3A_38 = arith.subi %sign3A_34, %sign3A_37 : i32
    %ne3A_39 = arith.cmpi ne, %sign3A_31, %sign3A_38 : i32
    %rem3A_40 = arith.remsi %mul3A_22, %jit3A_23 : i32
    %ne3A_41 = arith.constant 0 : i32
    %ne3A_42 = arith.cmpi ne, %rem3A_40, %ne3A_41 : i32
    %and3A_43 = arith.andi %ne3A_39, %ne3A_42 : i1
    %sub3A_44 = arith.constant 1 : i32
    %sub3A_45 = arith.subi %div3A_24, %sub3A_44 : i32
    %select_n3A_46 = arith.select %and3A_43, %sub3A_45, %div3A_24 : i32
    %sub3A_47 = arith.subi %select_n3A_46, %select_n3A : i32
    %mul3A_48 = arith.constant 625 : i32
    %mul3A_49 = arith.muli %arg1, %mul3A_48 : i32
    %div3A_50 = arith.constant 8 : i32
    %div3A_51 = arith.divsi %mul3A_49, %div3A_50 : i32
    %mul3A_52 = arith.constant 8 : i32
    %mul3A_53 = arith.muli %div3A_51, %mul3A_52 : i32
    "tpu.region"() ({
      %run_scoped3A_87 = tpu.sem_alloc : memref<!tpu.dma_semaphore, #tpu.memory_space<semaphore_mem>>
      %dma_start3A = tpu.memref_slice %arg8[%mul3A_53] : memref<10000xf32, #tpu.memory_space<vmem_shared>> -> memref<632xf32, #tpu.memory_space<vmem_shared>>
      %dma_start3A_88 = tpu.memref_slice %arg4[%mul3A_53] : memref<10000xf32, #tpu.memory_space<hbm>> -> memref<632xf32, #tpu.memory_space<hbm>>
      tpu.enqueue_dma source(%dma_start3A_88 : memref<632xf32, #tpu.memory_space<hbm>>) target(%dma_start3A : memref<632xf32, #tpu.memory_space<vmem_shared>>) target_semaphore(%run_scoped3A_87 : memref<!tpu.dma_semaphore, #tpu.memory_space<semaphore_mem>>)
      %dma_wait3A_89 = tpu.memref_slice %arg8[%mul3A_53] : memref<10000xf32, #tpu.memory_space<vmem_shared>> -> memref<632xf32, #tpu.memory_space<vmem_shared>>
      %dma_wait3A_90 = tpu.memref_slice %arg4[%mul3A_53] : memref<10000xf32, #tpu.memory_space<hbm>> -> memref<632xf32, #tpu.memory_space<hbm>>
      tpu.wait_dma2 semaphore(%run_scoped3A_87 : memref<!tpu.dma_semaphore, #tpu.memory_space<semaphore_mem>>) src(%dma_wait3A_90 : memref<632xf32, #tpu.memory_space<hbm>>) dst(%dma_wait3A_89 : memref<632xf32, #tpu.memory_space<vmem_shared>>)
      tpu.yield
    }) : () -> ()
    "tpu.region"() ({
      %run_scoped3A_87 = tpu.sem_alloc : memref<!tpu.dma_semaphore, #tpu.memory_space<semaphore_mem>>
      tpu.enqueue_dma source(%arg3 : memref<128xf32, #tpu.memory_space<hbm>>) target(%arg7 : memref<128xf32, #tpu.memory_space<vmem>>) target_semaphore(%run_scoped3A_87 : memref<!tpu.dma_semaphore, #tpu.memory_space<semaphore_mem>>)
      tpu.wait_dma2 semaphore(%run_scoped3A_87 : memref<!tpu.dma_semaphore, #tpu.memory_space<semaphore_mem>>) src(%arg3 : memref<128xf32, #tpu.memory_space<hbm>>) dst(%arg7 : memref<128xf32, #tpu.memory_space<vmem>>)
      tpu.yield
    }) : () -> ()
    %run_scoped3A = arith.constant 1 : i32
    "tpu.region"() ({
      %run_scoped3A_87 = tpu.sem_alloc : memref<!tpu.dma_semaphore, #tpu.memory_space<semaphore_mem>>
      %dma_start3A = arith.constant 0 : i32
      %dma_start3A_88 = tpu.memref_slice %arg2[%run_scoped3A, %select_n3A, %dma_start3A] : memref<2x2500x128xi32, #tpu.memory_space<hbm>> -> memref<1x79x128xi32, #tpu.memory_space<hbm>>
      %dma_start3A_89 = tpu.memref_squeeze %dma_start3A_88 : memref<1x79x128xi32, #tpu.memory_space<hbm>> -> memref<79x128xi32, #tpu.memory_space<hbm>>
      %dma_start3A_90 = arith.constant 0 : i32
      %dma_start3A_91 = tpu.memref_slice %arg2[%run_scoped3A, %select_n3A, %dma_start3A_90] : memref<2x2500x128xi32, #tpu.memory_space<hbm>> -> memref<1x79x128xi32, #tpu.memory_space<hbm>>
      %dma_start3A_92 = tpu.memref_squeeze %dma_start3A_91 : memref<1x79x128xi32, #tpu.memory_space<hbm>> -> memref<79x128xi32, #tpu.memory_space<hbm>>
      tpu.enqueue_dma source(%dma_start3A_92 : memref<79x128xi32, #tpu.memory_space<hbm>>) target(%arg6 : memref<79x128xi32, #tpu.memory_space<vmem>>) target_semaphore(%run_scoped3A_87 : memref<!tpu.dma_semaphore, #tpu.memory_space<semaphore_mem>>)
      %dma_wait3A_93 = arith.constant 0 : i32
      %dma_wait3A_94 = tpu.memref_slice %arg2[%run_scoped3A, %select_n3A, %dma_wait3A_93] : memref<2x2500x128xi32, #tpu.memory_space<hbm>> -> memref<1x79x128xi32, #tpu.memory_space<hbm>>
      %dma_wait3A_95 = tpu.memref_squeeze %dma_wait3A_94 : memref<1x79x128xi32, #tpu.memory_space<hbm>> -> memref<79x128xi32, #tpu.memory_space<hbm>>
      %dma_wait3A_96 = arith.constant 0 : i32
      %dma_wait3A_97 = tpu.memref_slice %arg2[%run_scoped3A, %select_n3A, %dma_wait3A_96] : memref<2x2500x128xi32, #tpu.memory_space<hbm>> -> memref<1x79x128xi32, #tpu.memory_space<hbm>>
      %dma_wait3A_98 = tpu.memref_squeeze %dma_wait3A_97 : memref<1x79x128xi32, #tpu.memory_space<hbm>> -> memref<79x128xi32, #tpu.memory_space<hbm>>
      tpu.wait_dma2 semaphore(%run_scoped3A_87 : memref<!tpu.dma_semaphore, #tpu.memory_space<semaphore_mem>>) src(%dma_wait3A_98 : memref<79x128xi32, #tpu.memory_space<hbm>>) dst(%arg6 : memref<79x128xi32, #tpu.memory_space<vmem>>)
      tpu.yield
    }) : () -> ()
    %barrier3A = arith.constant 0 : index
    tpu.barrier barrier_id(%barrier3A)
    %while3A = arith.constant 0 : i32
    %while3A_54 = arith.constant 0 : i32
    %while3A_55 = arith.subi %sub3A_47, %while3A_54 : i32
    %while3A_56 = arith.addi %while3A_54, %while3A_55 : i32
    %while3A_57 = arith.constant 1 : i32
    %while3A_58 = arith.divsi %while3A_55, %while3A_57 : i32
    %while3A_59 = arith.muli %while3A_58, %while3A_57 : i32
    %while3A_60 = arith.addi %while3A_54, %while3A_59 : i32
    %while3A_61 = arith.constant 1 : i32
    scf.for %while3A_87 = %while3A_54 to %while3A_60 step %while3A_61  : i32 {
      %rem3A_88 = arith.constant 2 : i32
      %rem3A_89 = arith.remsi %while3A_87, %rem3A_88 : i32
      %ge3A = arith.constant 2 : i32
      %ge3A_90 = arith.cmpi sge, %while3A_87, %ge3A : i32
      %convert_element_type3A = arith.extui %ge3A_90 : i1 to i32
      %cond3A = arith.constant 0 : i32
      %cond3A_91 = arith.cmpi ne, %convert_element_type3A, %cond3A : i32
      scf.if %cond3A_91 {
        %dma_wait3A_98 = arith.constant 0 : i32
        %dma_wait3A_99 = arith.constant 0 : i32
        %dma_wait3A_100 = tpu.memref_slice %arg6[%dma_wait3A_98, %dma_wait3A_99] : memref<79x128xi32, #tpu.memory_space<vmem>> -> memref<1x128xi32, #tpu.memory_space<vmem>>
        %dma_wait3A_101 = tpu.memref_squeeze %dma_wait3A_100 : memref<1x128xi32, #tpu.memory_space<vmem>> -> memref<128xi32, #tpu.memory_space<vmem>>
        %dma_wait3A_102 = arith.constant 0 : i32
        %dma_wait3A_103 = tpu.memref_slice %arg8[%dma_wait3A_102] : memref<10000xf32, #tpu.memory_space<vmem_shared>> -> memref<10000xf32, #tpu.memory_space<vmem_shared>>
        %dma_wait3A_104 = tpu.memref_slice %arg9[%rem3A_89] : memref<2x!tpu.dma_semaphore, #tpu.memory_space<semaphore_mem>> -> memref<1x!tpu.dma_semaphore, #tpu.memory_space<semaphore_mem>>
        %dma_wait3A_105 = tpu.memref_squeeze %dma_wait3A_104 : memref<1x!tpu.dma_semaphore, #tpu.memory_space<semaphore_mem>> -> memref<!tpu.dma_semaphore, #tpu.memory_space<semaphore_mem>>
        tpu.wait_indirect_dma semaphore(%dma_wait3A_105 : memref<!tpu.dma_semaphore, #tpu.memory_space<semaphore_mem>>) src(%arg7 : memref<128xf32, #tpu.memory_space<vmem>>) dst(%dma_wait3A_103 : memref<10000xf32, #tpu.memory_space<vmem_shared>>)
      } else {
      }
      %dma_start3A = arith.constant 0 : i32
      %dma_start3A_92 = tpu.memref_slice %arg6[%while3A_87, %dma_start3A] : memref<79x128xi32, #tpu.memory_space<vmem>> -> memref<1x128xi32, #tpu.memory_space<vmem>>
      %dma_start3A_93 = tpu.memref_squeeze %dma_start3A_92 : memref<1x128xi32, #tpu.memory_space<vmem>> -> memref<128xi32, #tpu.memory_space<vmem>>
      %dma_start3A_94 = arith.constant 0 : i32
      %dma_start3A_95 = tpu.memref_slice %arg8[%dma_start3A_94] : memref<10000xf32, #tpu.memory_space<vmem_shared>> -> memref<10000xf32, #tpu.memory_space<vmem_shared>>
      %dma_start3A_96 = tpu.memref_slice %arg9[%rem3A_89] : memref<2x!tpu.dma_semaphore, #tpu.memory_space<semaphore_mem>> -> memref<1x!tpu.dma_semaphore, #tpu.memory_space<semaphore_mem>>
      %dma_start3A_97 = tpu.memref_squeeze %dma_start3A_96 : memref<1x!tpu.dma_semaphore, #tpu.memory_space<semaphore_mem>> -> memref<!tpu.dma_semaphore, #tpu.memory_space<semaphore_mem>>
      tpu.enqueue_indirect_dma source(%arg7 : memref<128xf32, #tpu.memory_space<vmem>>) target(%dma_start3A_95 : memref<10000xf32, #tpu.memory_space<vmem_shared>>) offsets(%dma_start3A_93 : memref<128xi32, #tpu.memory_space<vmem>>) semaphore(%dma_start3A_97 : memref<!tpu.dma_semaphore, #tpu.memory_space<semaphore_mem>>) {add = true}
    }
    %while3A_62 = arith.constant 1 : i32
    scf.for %while3A_87 = %while3A_60 to %while3A_56 step %while3A_62  : i32 {
      %rem3A_88 = arith.constant 2 : i32
      %rem3A_89 = arith.remsi %while3A_87, %rem3A_88 : i32
      %ge3A = arith.constant 2 : i32
      %ge3A_90 = arith.cmpi sge, %while3A_87, %ge3A : i32
      %convert_element_type3A = arith.extui %ge3A_90 : i1 to i32
      %cond3A = arith.constant 0 : i32
      %cond3A_91 = arith.cmpi ne, %convert_element_type3A, %cond3A : i32
      scf.if %cond3A_91 {
        %dma_wait3A_98 = arith.constant 0 : i32
        %dma_wait3A_99 = arith.constant 0 : i32
        %dma_wait3A_100 = tpu.memref_slice %arg6[%dma_wait3A_98, %dma_wait3A_99] : memref<79x128xi32, #tpu.memory_space<vmem>> -> memref<1x128xi32, #tpu.memory_space<vmem>>
        %dma_wait3A_101 = tpu.memref_squeeze %dma_wait3A_100 : memref<1x128xi32, #tpu.memory_space<vmem>> -> memref<128xi32, #tpu.memory_space<vmem>>
        %dma_wait3A_102 = arith.constant 0 : i32
        %dma_wait3A_103 = tpu.memref_slice %arg8[%dma_wait3A_102] : memref<10000xf32, #tpu.memory_space<vmem_shared>> -> memref<10000xf32, #tpu.memory_space<vmem_shared>>
        %dma_wait3A_104 = tpu.memref_slice %arg9[%rem3A_89] : memref<2x!tpu.dma_semaphore, #tpu.memory_space<semaphore_mem>> -> memref<1x!tpu.dma_semaphore, #tpu.memory_space<semaphore_mem>>
        %dma_wait3A_105 = tpu.memref_squeeze %dma_wait3A_104 : memref<1x!tpu.dma_semaphore, #tpu.memory_space<semaphore_mem>> -> memref<!tpu.dma_semaphore, #tpu.memory_space<semaphore_mem>>
        tpu.wait_indirect_dma semaphore(%dma_wait3A_105 : memref<!tpu.dma_semaphore, #tpu.memory_space<semaphore_mem>>) src(%arg7 : memref<128xf32, #tpu.memory_space<vmem>>) dst(%dma_wait3A_103 : memref<10000xf32, #tpu.memory_space<vmem_shared>>)
      } else {
      }
      %dma_start3A = arith.constant 0 : i32
      %dma_start3A_92 = tpu.memref_slice %arg6[%while3A_87, %dma_start3A] : memref<79x128xi32, #tpu.memory_space<vmem>> -> memref<1x128xi32, #tpu.memory_space<vmem>>
      %dma_start3A_93 = tpu.memref_squeeze %dma_start3A_92 : memref<1x128xi32, #tpu.memory_space<vmem>> -> memref<128xi32, #tpu.memory_space<vmem>>
      %dma_start3A_94 = arith.constant 0 : i32
      %dma_start3A_95 = tpu.memref_slice %arg8[%dma_start3A_94] : memref<10000xf32, #tpu.memory_space<vmem_shared>> -> memref<10000xf32, #tpu.memory_space<vmem_shared>>
      %dma_start3A_96 = tpu.memref_slice %arg9[%rem3A_89] : memref<2x!tpu.dma_semaphore, #tpu.memory_space<semaphore_mem>> -> memref<1x!tpu.dma_semaphore, #tpu.memory_space<semaphore_mem>>
      %dma_start3A_97 = tpu.memref_squeeze %dma_start3A_96 : memref<1x!tpu.dma_semaphore, #tpu.memory_space<semaphore_mem>> -> memref<!tpu.dma_semaphore, #tpu.memory_space<semaphore_mem>>
      tpu.enqueue_indirect_dma source(%arg7 : memref<128xf32, #tpu.memory_space<vmem>>) target(%dma_start3A_95 : memref<10000xf32, #tpu.memory_space<vmem_shared>>) offsets(%dma_start3A_93 : memref<128xi32, #tpu.memory_space<vmem>>) semaphore(%dma_start3A_97 : memref<!tpu.dma_semaphore, #tpu.memory_space<semaphore_mem>>) {add = true}
    }
    %add3A_63 = arith.constant 0 : i32
    %add3A_64 = arith.addi %sub3A_47, %add3A_63 : i32
    %rem3A_65 = arith.constant 2 : i32
    %rem3A_66 = arith.remsi %add3A_64, %rem3A_65 : i32
    %dma_wait3A = arith.constant 0 : i32
    %dma_wait3A_67 = arith.constant 0 : i32
    %dma_wait3A_68 = tpu.memref_slice %arg6[%dma_wait3A, %dma_wait3A_67] : memref<79x128xi32, #tpu.memory_space<vmem>> -> memref<1x128xi32, #tpu.memory_space<vmem>>
    %dma_wait3A_69 = tpu.memref_squeeze %dma_wait3A_68 : memref<1x128xi32, #tpu.memory_space<vmem>> -> memref<128xi32, #tpu.memory_space<vmem>>
    %dma_wait3A_70 = arith.constant 0 : i32
    %dma_wait3A_71 = tpu.memref_slice %arg8[%dma_wait3A_70] : memref<10000xf32, #tpu.memory_space<vmem_shared>> -> memref<10000xf32, #tpu.memory_space<vmem_shared>>
    %dma_wait3A_72 = tpu.memref_slice %arg9[%rem3A_66] : memref<2x!tpu.dma_semaphore, #tpu.memory_space<semaphore_mem>> -> memref<1x!tpu.dma_semaphore, #tpu.memory_space<semaphore_mem>>
    %dma_wait3A_73 = tpu.memref_squeeze %dma_wait3A_72 : memref<1x!tpu.dma_semaphore, #tpu.memory_space<semaphore_mem>> -> memref<!tpu.dma_semaphore, #tpu.memory_space<semaphore_mem>>
    tpu.wait_indirect_dma semaphore(%dma_wait3A_73 : memref<!tpu.dma_semaphore, #tpu.memory_space<semaphore_mem>>) src(%arg7 : memref<128xf32, #tpu.memory_space<vmem>>) dst(%dma_wait3A_71 : memref<10000xf32, #tpu.memory_space<vmem_shared>>)
    %add3A_74 = arith.constant 1 : i32
    %add3A_75 = arith.addi %sub3A_47, %add3A_74 : i32
    %rem3A_76 = arith.constant 2 : i32
    %rem3A_77 = arith.remsi %add3A_75, %rem3A_76 : i32
    %dma_wait3A_78 = arith.constant 0 : i32
    %dma_wait3A_79 = arith.constant 0 : i32
    %dma_wait3A_80 = tpu.memref_slice %arg6[%dma_wait3A_78, %dma_wait3A_79] : memref<79x128xi32, #tpu.memory_space<vmem>> -> memref<1x128xi32, #tpu.memory_space<vmem>>
    %dma_wait3A_81 = tpu.memref_squeeze %dma_wait3A_80 : memref<1x128xi32, #tpu.memory_space<vmem>> -> memref<128xi32, #tpu.memory_space<vmem>>
    %dma_wait3A_82 = arith.constant 0 : i32
    %dma_wait3A_83 = tpu.memref_slice %arg8[%dma_wait3A_82] : memref<10000xf32, #tpu.memory_space<vmem_shared>> -> memref<10000xf32, #tpu.memory_space<vmem_shared>>
    %dma_wait3A_84 = tpu.memref_slice %arg9[%rem3A_77] : memref<2x!tpu.dma_semaphore, #tpu.memory_space<semaphore_mem>> -> memref<1x!tpu.dma_semaphore, #tpu.memory_space<semaphore_mem>>
    %dma_wait3A_85 = tpu.memref_squeeze %dma_wait3A_84 : memref<1x!tpu.dma_semaphore, #tpu.memory_space<semaphore_mem>> -> memref<!tpu.dma_semaphore, #tpu.memory_space<semaphore_mem>>
    tpu.wait_indirect_dma semaphore(%dma_wait3A_85 : memref<!tpu.dma_semaphore, #tpu.memory_space<semaphore_mem>>) src(%arg7 : memref<128xf32, #tpu.memory_space<vmem>>) dst(%dma_wait3A_83 : memref<10000xf32, #tpu.memory_space<vmem_shared>>)
    %barrier3A_86 = arith.constant 0 : index
    tpu.barrier barrier_id(%barrier3A_86)
    "tpu.region"() ({
      %run_scoped3A_87 = tpu.sem_alloc : memref<!tpu.dma_semaphore, #tpu.memory_space<semaphore_mem>>
      %dma_start3A = tpu.memref_slice %arg5[%arg0, %mul3A_53] : memref<2x10000xf32, #tpu.memory_space<hbm>> -> memref<1x632xf32, #tpu.memory_space<hbm>>
      %dma_start3A_88 = tpu.memref_squeeze %dma_start3A : memref<1x632xf32, #tpu.memory_space<hbm>> -> memref<632xf32, #tpu.memory_space<hbm>>
      %dma_start3A_89 = tpu.memref_slice %arg8[%mul3A_53] : memref<10000xf32, #tpu.memory_space<vmem_shared>> -> memref<632xf32, #tpu.memory_space<vmem_shared>>
      tpu.enqueue_dma source(%dma_start3A_89 : memref<632xf32, #tpu.memory_space<vmem_shared>>) target(%dma_start3A_88 : memref<632xf32, #tpu.memory_space<hbm>>) target_semaphore(%run_scoped3A_87 : memref<!tpu.dma_semaphore, #tpu.memory_space<semaphore_mem>>)
      %dma_wait3A_90 = tpu.memref_slice %arg5[%arg0, %mul3A_53] : memref<2x10000xf32, #tpu.memory_space<hbm>> -> memref<1x632xf32, #tpu.memory_space<hbm>>
      %dma_wait3A_91 = tpu.memref_squeeze %dma_wait3A_90 : memref<1x632xf32, #tpu.memory_space<hbm>> -> memref<632xf32, #tpu.memory_space<hbm>>
      %dma_wait3A_92 = tpu.memref_slice %arg8[%mul3A_53] : memref<10000xf32, #tpu.memory_space<vmem_shared>> -> memref<632xf32, #tpu.memory_space<vmem_shared>>
      tpu.wait_dma2 semaphore(%run_scoped3A_87 : memref<!tpu.dma_semaphore, #tpu.memory_space<semaphore_mem>>) src(%dma_wait3A_92 : memref<632xf32, #tpu.memory_space<vmem_shared>>) dst(%dma_wait3A_91 : memref<632xf32, #tpu.memory_space<hbm>>)
      tpu.yield
    }) : () -> ()
    return
  }
}

module attributes {stable_mosaic.version = 14 : i64} {
  func.func @_scale_body(%arg0: memref<10000x64xf32, #tpu.memory_space<vmem>>, %arg1: memref<2x10000xf32, #tpu.memory_space<vmem>>, %arg2: memref<10000x64xf32, #tpu.memory_space<vmem>>) attributes {dimension_semantics = [], scalar_prefetch = 0 : i64, scratch_operands = 0 : i64, tpu.core_type = #tpu.core_type<tc>} {
    %get3A = arith.constant 0 : index
    %get3A_0 = arith.constant 0 : index
    %get3A_1 = vector.load %arg1[%get3A, %get3A_0] : memref<2x10000xf32, #tpu.memory_space<vmem>>, vector<2x10000xf32>
    %slice3A = vector.extract_strided_slice %get3A_1 {offsets = [0, 0], sizes = [1, 10000], strides = [1, 1]} : vector<2x10000xf32> to vector<1x10000xf32>
    %squeeze3A = vector.shape_cast %slice3A : vector<1x10000xf32> to vector<10000xf32>
    %slice3A_2 = vector.extract_strided_slice %get3A_1 {offsets = [1, 0], sizes = [1, 10000], strides = [1, 1]} : vector<2x10000xf32> to vector<1x10000xf32>
    %squeeze3A_3 = vector.shape_cast %slice3A_2 : vector<1x10000xf32> to vector<10000xf32>
    %add3A = arith.addf %squeeze3A, %squeeze3A_3 : vector<10000xf32>
    %broadcast_in_dim3A = vector.shape_cast %add3A : vector<10000xf32> to vector<10000x1xf32>
    %get3A_4 = arith.constant 0 : index
    %get3A_5 = arith.constant 0 : index
    %get3A_6 = vector.load %arg0[%get3A_4, %get3A_5] : memref<10000x64xf32, #tpu.memory_space<vmem>>, vector<10000x64xf32>
    %add3A_7 = arith.constant 1.000000e+00 : f32
    %add3A_8 = vector.broadcast %add3A_7 : f32 to vector<10000x1xf32>
    %add3A_9 = arith.addf %broadcast_in_dim3A, %add3A_8 : vector<10000x1xf32>
    %rsqrt3A = math.rsqrt %add3A_9 : vector<10000x1xf32>
    %mul3A = vector.broadcast %rsqrt3A : vector<10000x1xf32> to vector<10000x64xf32>
    %mul3A_10 = arith.mulf %get3A_6, %mul3A : vector<10000x64xf32>
    %swap3A = arith.constant 0 : index
    %swap3A_11 = arith.constant 0 : index
    %swap3A_12 = vector.load %arg2[%swap3A, %swap3A_11] : memref<10000x64xf32, #tpu.memory_space<vmem>>, vector<10000x64xf32>
    tpu.vector_store %arg2[%swap3A, %swap3A_11], %mul3A_10 {strides = array<i32>} : memref<10000x64xf32, #tpu.memory_space<vmem>>, vector<10000x64xf32>,
    return
  }
}

module attributes {stable_mosaic.version = 14 : i64} {
  func.func @_mm_body(%arg0: memref<10000x128xf32, #tpu.memory_space<vmem>>, %arg1: memref<128x128xf32, #tpu.memory_space<vmem>>, %arg2: memref<64x128xf32, #tpu.memory_space<vmem>>, %arg3: memref<64x64xf32, #tpu.memory_space<vmem>>, %arg4: memref<10000x64xf32, #tpu.memory_space<vmem>>) attributes {dimension_semantics = [], scalar_prefetch = 0 : i64, scratch_operands = 0 : i64, tpu.core_type = #tpu.core_type<tc>} {
    %get3A = arith.constant 0 : index
    %get3A_0 = arith.constant 0 : index
    %get3A_1 = vector.load %arg0[%get3A, %get3A_0] : memref<10000x128xf32, #tpu.memory_space<vmem>>, vector<10000x128xf32>
    %get3A_2 = arith.constant 0 : index
    %get3A_3 = arith.constant 0 : index
    %get3A_4 = vector.load %arg1[%get3A_2, %get3A_3] : memref<128x128xf32, #tpu.memory_space<vmem>>, vector<128x128xf32>
    %dot_general3A = arith.constant dense<0.000000e+00> : vector<10000x128xf32>
    %dot_general3A_5 = tpu.matmul %get3A_1, %get3A_4, %dot_general3A {dimension_numbers = #tpu.dot_dimension_numbers<[1], [1], [0], [0], [0, 0, 1, 0], [], []>, transpose_lhs_hint = false} : vector<10000x128xf32>, vector<128x128xf32>, vector<10000x128xf32> -> vector<10000x128xf32>
    %get3A_6 = arith.constant 0 : index
    %get3A_7 = arith.constant 0 : index
    %get3A_8 = vector.load %arg2[%get3A_6, %get3A_7] : memref<64x128xf32, #tpu.memory_space<vmem>>, vector<64x128xf32>
    %dot_general3A_9 = arith.constant dense<0.000000e+00> : vector<10000x64xf32>
    %dot_general3A_10 = tpu.matmul %dot_general3A_5, %get3A_8, %dot_general3A_9 {dimension_numbers = #tpu.dot_dimension_numbers<[1], [1], [0], [0], [0, 0, 1, 0], [], []>, transpose_lhs_hint = false} : vector<10000x128xf32>, vector<64x128xf32>, vector<10000x64xf32> -> vector<10000x64xf32>
    %get3A_11 = arith.constant 0 : index
    %get3A_12 = arith.constant 0 : index
    %get3A_13 = vector.load %arg3[%get3A_11, %get3A_12] : memref<64x64xf32, #tpu.memory_space<vmem>>, vector<64x64xf32>
    %dot_general3A_14 = arith.constant dense<0.000000e+00> : vector<10000x64xf32>
    %dot_general3A_15 = tpu.matmul %dot_general3A_10, %get3A_13, %dot_general3A_14 {dimension_numbers = #tpu.dot_dimension_numbers<[1], [1], [0], [0], [0, 0, 1, 0], [], []>, transpose_lhs_hint = false} : vector<10000x64xf32>, vector<64x64xf32>, vector<10000x64xf32> -> vector<10000x64xf32>
    %swap3A = arith.constant 0 : index
    %swap3A_16 = arith.constant 0 : index
    %swap3A_17 = vector.load %arg4[%swap3A, %swap3A_16] : memref<10000x64xf32, #tpu.memory_space<vmem>>, vector<10000x64xf32>
    tpu.vector_store %arg4[%swap3A, %swap3A_16], %dot_general3A_15 {strides = array<i32>} : memref<10000x64xf32, #tpu.memory_space<vmem>>, vector<10000x64xf32>,
    return
  }
}

module attributes {stable_mosaic.version = 14 : i64} {
  func.func @_epi_body(%arg0: memref<2x10000x64xf32, #tpu.memory_space<vmem>>, %arg1: memref<10000x64xf32, #tpu.memory_space<vmem>>, %arg2: memref<2x10000xf32, #tpu.memory_space<vmem>>, %arg3: memref<64x128xf32, #tpu.memory_space<vmem>>, %arg4: memref<64x64xf32, #tpu.memory_space<vmem>>, %arg5: memref<1x128xf32, #tpu.memory_space<vmem>>, %arg6: memref<1x64xf32, #tpu.memory_space<vmem>>, %arg7: memref<1x64xf32, #tpu.memory_space<vmem>>, %arg8: memref<10000x64xf32, #tpu.memory_space<vmem>>) attributes {dimension_semantics = [], scalar_prefetch = 0 : i64, scratch_operands = 0 : i64, tpu.core_type = #tpu.core_type<tc>} {
    %get3A = arith.constant 0 : index
    %get3A_0 = arith.constant 0 : index
    %get3A_1 = vector.load %arg5[%get3A, %get3A_0] : memref<1x128xf32, #tpu.memory_space<vmem>>, vector<1x128xf32>
    %get3A_2 = arith.constant 0 : index
    %get3A_3 = arith.constant 0 : index
    %get3A_4 = vector.load %arg3[%get3A_2, %get3A_3] : memref<64x128xf32, #tpu.memory_space<vmem>>, vector<64x128xf32>
    %dot_general3A = arith.constant dense<0.000000e+00> : vector<1x64xf32>
    %dot_general3A_5 = tpu.matmul %get3A_1, %get3A_4, %dot_general3A {dimension_numbers = #tpu.dot_dimension_numbers<[1], [1], [0], [0], [0, 0, 1, 0], [], []>, transpose_lhs_hint = false} : vector<1x128xf32>, vector<64x128xf32>, vector<1x64xf32> -> vector<1x64xf32>
    %get3A_6 = arith.constant 0 : index
    %get3A_7 = arith.constant 0 : index
    %get3A_8 = vector.load %arg6[%get3A_6, %get3A_7] : memref<1x64xf32, #tpu.memory_space<vmem>>, vector<1x64xf32>
    %add3A = arith.addf %dot_general3A_5, %get3A_8 : vector<1x64xf32>
    %get3A_9 = arith.constant 0 : index
    %get3A_10 = arith.constant 0 : index
    %get3A_11 = vector.load %arg4[%get3A_9, %get3A_10] : memref<64x64xf32, #tpu.memory_space<vmem>>, vector<64x64xf32>
    %dot_general3A_12 = arith.constant dense<0.000000e+00> : vector<1x64xf32>
    %dot_general3A_13 = tpu.matmul %add3A, %get3A_11, %dot_general3A_12 {dimension_numbers = #tpu.dot_dimension_numbers<[1], [1], [0], [0], [0, 0, 1, 0], [], []>, transpose_lhs_hint = false} : vector<1x64xf32>, vector<64x64xf32>, vector<1x64xf32> -> vector<1x64xf32>
    %get3A_14 = arith.constant 0 : index
    %get3A_15 = arith.constant 0 : index
    %get3A_16 = vector.load %arg7[%get3A_14, %get3A_15] : memref<1x64xf32, #tpu.memory_space<vmem>>, vector<1x64xf32>
    %add3A_17 = arith.addf %dot_general3A_13, %get3A_16 : vector<1x64xf32>
    %get3A_18 = arith.constant 0 : index
    %get3A_19 = arith.constant 0 : index
    %get3A_20 = vector.load %arg2[%get3A_18, %get3A_19] : memref<2x10000xf32, #tpu.memory_space<vmem>>, vector<2x10000xf32>
    %slice3A = vector.extract_strided_slice %get3A_20 {offsets = [0, 0], sizes = [1, 10000], strides = [1, 1]} : vector<2x10000xf32> to vector<1x10000xf32>
    %squeeze3A = vector.shape_cast %slice3A : vector<1x10000xf32> to vector<10000xf32>
    %slice3A_21 = vector.extract_strided_slice %get3A_20 {offsets = [1, 0], sizes = [1, 10000], strides = [1, 1]} : vector<2x10000xf32> to vector<1x10000xf32>
    %squeeze3A_22 = vector.shape_cast %slice3A_21 : vector<1x10000xf32> to vector<10000xf32>
    %add3A_23 = arith.addf %squeeze3A, %squeeze3A_22 : vector<10000xf32>
    %broadcast_in_dim3A = vector.shape_cast %add3A_23 : vector<10000xf32> to vector<10000x1xf32>
    %add3A_24 = arith.constant 1.000000e+00 : f32
    %add3A_25 = vector.broadcast %add3A_24 : f32 to vector<10000x1xf32>
    %add3A_26 = arith.addf %broadcast_in_dim3A, %add3A_25 : vector<10000x1xf32>
    %get3A_27 = arith.constant 0 : index
    %get3A_28 = arith.constant 0 : index
    %get3A_29 = arith.constant 0 : index
    %get3A_30 = vector.load %arg0[%get3A_27, %get3A_28, %get3A_29] : memref<2x10000x64xf32, #tpu.memory_space<vmem>>, vector<2x10000x64xf32>
    %slice3A_31 = vector.extract_strided_slice %get3A_30 {offsets = [0, 0, 0], sizes = [1, 10000, 64], strides = [1, 1, 1]} : vector<2x10000x64xf32> to vector<1x10000x64xf32>
    %squeeze3A_32 = vector.shape_cast %slice3A_31 : vector<1x10000x64xf32> to vector<10000x64xf32>
    %slice3A_33 = vector.extract_strided_slice %get3A_30 {offsets = [1, 0, 0], sizes = [1, 10000, 64], strides = [1, 1, 1]} : vector<2x10000x64xf32> to vector<1x10000x64xf32>
    %squeeze3A_34 = vector.shape_cast %slice3A_33 : vector<1x10000x64xf32> to vector<10000x64xf32>
    %add3A_35 = arith.addf %squeeze3A_32, %squeeze3A_34 : vector<10000x64xf32>
    %get3A_36 = arith.constant 0 : index
    %get3A_37 = arith.constant 0 : index
    %get3A_38 = vector.load %arg1[%get3A_36, %get3A_37] : memref<10000x64xf32, #tpu.memory_space<vmem>>, vector<10000x64xf32>
    %add3A_39 = arith.addf %add3A_35, %get3A_38 : vector<10000x64xf32>
    %rsqrt3A = math.rsqrt %add3A_26 : vector<10000x1xf32>
    %mul3A = vector.broadcast %rsqrt3A : vector<10000x1xf32> to vector<10000x64xf32>
    %mul3A_40 = arith.mulf %add3A_39, %mul3A : vector<10000x64xf32>
    %add3A_41 = vector.broadcast %add3A_17 : vector<1x64xf32> to vector<10000x64xf32>
    %add3A_42 = arith.addf %mul3A_40, %add3A_41 : vector<10000x64xf32>
    %swap3A = arith.constant 0 : index
    %swap3A_43 = arith.constant 0 : index
    %swap3A_44 = vector.load %arg8[%swap3A, %swap3A_43] : memref<10000x64xf32, #tpu.memory_space<vmem>>, vector<10000x64xf32>
    tpu.vector_store %arg8[%swap3A, %swap3A_43], %add3A_42 {strides = array<i32>} : memref<10000x64xf32, #tpu.memory_space<vmem>>, vector<10000x64xf32>,
    return
  }
}

</mosaic_0001>

<sc_bundles>
// kernel: kernel.10.cloned.1.call-start
scs
__scs_entry_jumppad:
0x0: {  	(pc) =	sbr.rel $0x88, $3  }
0x1: {  	(tag) =	ssettag $0x0;
	lr =	simm.s32 $0x1  }
0x2: {  	[smem:$0x3F99] =	sst lr;
	_ =	strace $0xD0000000  }
0x3: {  	_ = 	snop  }
0x4: {  	_ = 	snop  }
0x5: {  	_ = 	snop  }
0x6: {  	_ = 	snop  }
0x7: {  	_ = 	snop  }
__scs_overlays_trampoline_lowered:
0x8: {  	[smem:$0x3FA8] =	sst s0  }
0x9: {  	[smem:$0x3FA9] =	sst s1  }
0xa: {  	[smem:$0x3FAA] =	sst s2  }
0xb: {  	[smem:$0x3FAB] =	sst s3  }
0xc: {  	[smem:$0x3FAC] =	sst s4  }
0xd: {  	[smem:$0x3FAD] =	sst s5  }
0xe: {  	[smem:$0x3FAE] =	sst s6  }
0xf: {  	[smem:$0x3FAF] =	sst s7  }
0x10: {  	[smem:$0x3FB0] =	sst s8  }
0x11: {  	[smem:$0x3FB1] =	sst s9;
	s0 =	simm.s32 @!p0 $0x0  }
0x12: {  	s1 =	sld [smem:$0x3F97];
	s0 =	simm.s32 @p0 $0x1  }
0x13: {  	[smem:$0x3FB2] =	sst s0;
	s0 =	simm.s32 @!p1 $0x0  }
0x14: {  	s2 =	sld [smem:$0x3F96];
	s0 =	simm.s32 @p1 $0x1  }
0x15: {  	[smem:$0x3FB3] =	sst s0;
	s0 =	simm.s32 @!p2 $0x0  }
0x16: {  	s3 =	sld [smem:$0x3FDB];
	s0 =	simm.s32 @p2 $0x1  }
0x17: {  	s4 =	simm.s32 $0x1BF5;
	[smem:$0x3FB5] =	sst s0  }
0x18: {  	s0 =	sld [smem:$0x3F98];
	_ =	swait.ge [sflag:s4], $0x0  }
0x19: {  	s7 =	sld [smem:$0x3F99]  }
0x1a: {  	s8 =	sadd.s32 $0xFFFFE003, lr  }
0x1b: {  	s9 =	sadd.s32 $0xFFFFFEF7, lr;
	s5 =	simm.s32 $0xFFFFFFFF;
	p2 =	slt.u32 s8, $0xFFFFF086  }
0x1c: {  	p1 =	slt.u32 s9, $0xF7A;
	s5 =	simm.s32 @!p2 $0x0  }
0x1d: {  	s5 =	simm.s32 @p1 $0x1;
	p0 =	seq.s32 s7, s2  }
0x1e: {  	s7 =	smul.u32 @!p0 $0xF7A, s2;
	p2 =	seq.s32 @!p0 s5, $0x0  }
0x1f: {  	s9 =	smul.u32 $0xF7A, s1;
	s8 =	simm.s32 @!p0 $0x1BF5;
	p2 =	por !p2, p0  }
0x20: {  	[sflag:s8] =	ssyncset.s32 @!p0 $0xFFFFF086;
	s6 =	sadd.s32 @!p0 s3, s7;
	s7 =	simm.s32 @!p0 $0x108  }
0x21: {  	s3 =	sadd.s32 s3, s9;
	s6 =	sadd.s32 @!p0 $0x88, s6;
	s7 =	simm.s32 @p2 $0x1082  }
0x22: {  	[simem:s7], [sflag:s8] =	dma.local @!p0 [hbm:s6], $0xF7A  }
0x23: {  	s9 =	sor.u32 $0xD0000000, s2;
	s6 =	simm.s32 $0x108;
	_ =	swait.ge @!p0 [sflag:s8], $0x0  }
0x24: {  	s3 =	sadd.s32 $0x88, s3;
	s6 =	simm.s32 @!p1 $0x1082;
	[sflag:s4] =	ssyncset.s32 $0xFFFFF086  }
0x25: {  	[simem:s6], [sflag:s4] =	dma.local [hbm:s3], $0xF7A  }
0x26: {  	[smem:$0x3F99] =	sst s1;
	(tag) =	ssettag s2;
	_ =	strace s9  }
0x27: {  	s1 =	sld [smem:$0x3FA9]  }
0x28: {  	s2 =	sld [smem:$0x3FAA]  }
0x29: {  	s4 =	sld [smem:$0x3FAC]  }
0x2a: {  	p0 =	seq.s32 s5, $0x0;
	s5 =	sld [smem:$0x3FAD]  }
0x2b: {  	s6 =	sld [smem:$0x3FAE]  }
0x2c: {  	s7 =	sld [smem:$0x3FAF]  }
0x2d: {  	s3 =	simm.s32 $0x108;
	s8 =	sld [smem:$0x3FB0]  }
0x2e: {  	s3 =	simm.s32 @!p0 $0x1082;
	s9 =	sld [smem:$0x3FB1]  }
0x2f: {  	lr =	sadd.s32 s0, s3;
	s0 =	sld [smem:$0x3FA8]  }
0x30: {  	s3 =	sld [smem:$0x3FAB]  }
0x31: {  	[smem:$0x3FB4] =	sst s10  }
0x32: {  	s10 =	sld [smem:$0x3FB2];
	_ =	sdelay $0x3  }
0x33: {  	p0 =	seq.s32 s10, $0x1;
	s10 =	sld [smem:$0x3FB4];
	_ =	sdelay $0x3  }
0x34: {  	[smem:$0x3FB4] =	sst s10  }
0x35: {  	s10 =	sld [smem:$0x3FB3];
	_ =	sdelay $0x3  }
0x36: {  	p1 =	seq.s32 s10, $0x1;
	s10 =	sld [smem:$0x3FB4];
	_ =	sdelay $0x3  }
0x37: {  	[smem:$0x3FB4] =	sst s10  }
0x38: {  	s10 =	sld [smem:$0x3FB5]  }
0x39: {  	_ = 	snop;
	(pc) =	sbr.ind lr, $3  }
0x3a: {  	_ = 	snop  }
0x3b: {  	_ = 	snop  }
0x3c: {  	p2 =	seq.s32 s10, $0x1;
	s10 =	sld [smem:$0x3FB4]  }
0x3d: {  	_ =	shalt  }
0x3e: {  	_ =	shalt  }
0x3f: {  	_ =	shalt  }
0x40: {  	_ =	shalt  }
0x41: {  	_ =	shalt  }
0x42: {  	_ =	shalt  }
0x43: {  	_ =	shalt  }
0x44: {  	_ =	shalt  }
0x45: {  	_ =	shalt  }
0x46: {  	_ =	shalt  }
0x47: {  	_ =	shalt  }
0x48: {  	_ =	shalt  }
0x49: {  	_ =	shalt  }
0x4a: {  	_ =	shalt  }
0x4b: {  	_ =	shalt  }
0x4c: {  	_ =	shalt  }
0x4d: {  	_ =	shalt  }
0x4e: {  	_ =	shalt  }
0x4f: {  	_ =	shalt  }
0x50: {  	_ =	shalt  }
0x51: {  	_ =	shalt  }
0x52: {  	_ =	shalt  }
0x53: {  	_ =	shalt  }
0x54: {  	_ =	shalt  }
0x55: {  	_ =	shalt  }
0x56: {  	_ =	shalt  }
0x57: {  	_ =	shalt  }
0x58: {  	_ =	shalt  }
0x59: {  	_ =	shalt  }
0x5a: {  	_ =	shalt  }
0x5b: {  	_ =	shalt  }
0x5c: {  	_ =	shalt  }
0x5d: {  	_ =	shalt  }
0x5e: {  	_ =	shalt  }
0x5f: {  	_ =	shalt  }
0x60: {  	_ =	shalt  }
0x61: {  	_ =	shalt  }
0x62: {  	_ =	shalt  }
0x63: {  	_ =	shalt  }
0x64: {  	_ =	shalt  }
0x65: {  	_ =	shalt  }
0x66: {  	_ =	shalt  }
0x67: {  	_ =	shalt  }
0x68: {  	_ =	shalt  }
0x69: {  	_ =	shalt  }
0x6a: {  	_ =	shalt  }
0x6b: {  	_ =	shalt  }
0x6c: {  	_ =	shalt  }
0x6d: {  	_ =	shalt  }
0x6e: {  	_ =	shalt  }
0x6f: {  	_ =	shalt  }
0x70: {  	_ =	shalt  }
0x71: {  	_ =	shalt  }
0x72: {  	_ =	shalt  }
0x73: {  	_ =	shalt  }
0x74: {  	_ =	shalt  }
0x75: {  	_ =	shalt  }
0x76: {  	_ =	shalt  }
0x77: {  	_ =	shalt  }
0x78: {  	_ =	shalt  }
0x79: {  	_ =	shalt  }
0x7a: {  	_ =	shalt  }
0x7b: {  	_ =	shalt  }
0x7c: {  	_ =	shalt  }
0x7d: {  	_ =	shalt  }
0x7e: {  	_ =	shalt  }
0x7f: {  	_ =	shalt  }
0x80: {  	_ =	shalt  }
0x81: {  	_ =	shalt  }
0x82: {  	_ =	shalt  }
0x83: {  	_ =	shalt  }
0x84: {  	_ =	shalt  }
0x85: {  	_ =	shalt  }
0x86: {  	_ =	shalt  }
0x87: {  	_ =	shalt  }
.Lfunc_end0:
.L_simem_size_0:
called_computation.1_lowered:
.L_overlay_start_0:
0x88: {  	s2 =	sld [smem:$0x3FD9]  }
0x89: {  	s3 =	sld [smem:$0x3FFE];
	_ =	sdelay $0x1  }
0x8a: {  	s1 =	srdreg.scid  }
0x8b: {  	s0 =	sand.u32 $0x1, s1  }
0x8c: {  	s17 =	sshll.u32 s0, $0xA;
	s2 =	sadd.s32 s3, s2  }
0x8d: {  	s2 =	sadd.s32 s2, s17  }
0x8e: {  	[smem:$0x3FC0] =	sst s2  }
0x8f: {  	_ = 	snop  }
0x90: {  	s2 =	sld [smem:$0x3FD0];
	(tm) =	ssettm $0x1  }
0x91: {  	s18 =	sld [smem:$0x3FFB];
	_ =	sdelay $0x3  }
0x92: {  	_ =	strace s18  }
0x93: {  	s3 =	sld [smem:$0x3FFC];
	_ =	sdelay $0x3  }
0x94: {  	_ =	strace s3  }
0x95: {  	s3 =	sld [smem:$0x3FFD];
	_ =	sdelay $0x3  }
0x96: {  	_ =	strace s3  }
0x97: {  	_ =	strace $0x8FFFFFFF  }
0x98: {  	s19 =	sld [smem:$0x3FDB];
	_ =	sdelay $0x1  }
0x99: {  	s4 =	simm.s32 $_scs_section_size  }
0x9a: {  	s5 =	simm.s32 $_size__tile_overlayer_lowered;
	s6 =	simm.s32 $_tile_overlayer_lowered  }
0x9b: {  	s22 =	simm.s32 $0x1BFF;
	s21 =	sshll.u32 s6, $0x1;
	s3 =	sadd.s32 s4, s19  }
0x9c: {  	s7 =	simm.s32 $0x0;
	s20 =	sshll.u32 s5, $0x1;
	s5 =	sadd.s32 s21, s3  }
0x9d: {  	[timem:s7], [sflag:s22] =	dma.local [hbm:s5], s20  }
0x9e: {  	_ =	swait.ge [sflag:s22], s20  }
0x9f: {  	s4 =	ssub.s32 $0x0, s20;
	[sflag:s22] =	ssyncset.done $0x0  }
0xa0: {  	[sflag:s22] =	ssyncadd.s32 s4;
	_ =	sdelay $0x1  }
0xa1: {  	s23 =	simm.s32 $0x1B8B  }
0xa2: {  	_ =	swait.ge [sflag:s23], $0x1  }
0xa3: {  	[sflag:s23] =	ssyncset.done $0x0  }
0xa4: {  	s25 =	simm.s32 $0x1B8E;
	s24 =	sld [smem:$0x3FFE];
	[sflag:s23] =	ssyncadd.s32 $0xFFFFFFFF  }
0xa5: {  	s26 =	simm.s32 $execute0_lowered;
	[smem:$0x3FD2] =	sst s25  }
0xa6: {  	s5 =	sshll.u32 s26, $0x1;
	_ =	strace $0x80000049;
	[dreg:$0x1] =	wrdreg $0xFFFFFFFF  }
0xa7: {  	s28 =	simm.s32 $_size_execute0_lowered;
	s3 =	sadd.s32 s3, s5;
	[dreg:$0x0] =	wrdreg $0x0  }
0xa8: {  	s5 =	sshll.u32 s28, $0x1;
	[dreg:$0x2] =	wrdreg s3  }
0xa9: {  	[dreg:$0x3] =	wrdreg s5  }
0xaa: {  	[dreg:$0x4] =	wrdreg $0xC0  }
0xab: {  	_ =	task [dreg:s7], $0x5FFFF  }
0xac: {  	[dreg:$0x1] =	wrdreg $0xFFFFFFFF  }
0xad: {  	[dreg:$0x0] =	wrdreg $0x60  }
0xae: {  	[dreg:$0x2] =	wrdreg s2  }
0xaf: {  	[dreg:$0x3] =	wrdreg s24  }
0xb0: {  	[dreg:$0x4] =	wrdreg $0xAF000  }
0xb1: {  	[dreg:$0x5] =	wrdreg $0x14B400  }
0xb2: {  	[dreg:$0x6] =	wrdreg $0x9  }
0xb3: {  	_ =	task.clear_ibuf [dreg:s7], $0x7FFFF;
	_ =	strace $0x90000049  }
0xb4: {  	s29 =	simm.s32 $0x9;
	_ =	strace $0x8000004B  }
0xb5: {  	_ =	swait.ge [sflag:s29], $0x1  }
0xb6: {  	[sflag:s29] =	ssyncadd.s32 $0xFFFFFFFF  }
0xb7: {  	_ =	strace $0x9000004B  }
0xb8: {  	_ =	sfence  }
0xb9: {  	s30 =	sld [smem:$0x0];
	_ =	sdelay $0x2  }
0xba: {  	s31 =	sshll.u32 s1, $0xD;
	s1 =	sshrl.u32 s1, $0x2  }
0xbb: {  	s3 =	sand.u32 $0x4000, s31;
	s1 =	sadd.s32 s1, s30  }
0xbc: {  	s0 =	sor.u32 s3, s0;
	s1 =	sshll.u32 s1, $0x11  }
0xbd: {  	s0 =	sor.u32 s1, s0  }
0xbe: {  	s0 =	sadd.s32 $0x8F2B, s0  }
0xbf: {  	[sflag:s0] =	ssyncadd.remote.s32 $0x1  }
0xc0: {  	_ =	sfence.sel $0xFFFF  }
0xc1: {  	[dreg:$0x0] =	wrdreg $0xFFFFFFFF;
	(pc) =	sbr.abs _section_cstart, $3  }
0xc2: {  	[dreg:$0x1] =	wrdreg $0xFFFFFFFF  }
0xc3: {  	_ =	task.clear_ibuf [dreg:s7], $0x2FFFF;
	_ =	strace $0x9FFFFFFF  }
0xc4: {  	(tm) =	ssettm $0x7FFFFFFF  }
0xc5: {  	_ =	shalt  }
tec
execute0_lowered:
.L_overlay_start_1:
0x0: {  	(tag) =	ssettag $0x1  }
0x1: {  	s0 =	rddreg [dreg:$0x0]  }
0x2: {  	s15 =	stileid.u32;
	s6 =	rddreg [dreg:$0x1]  }
0x3: {  	s1 =	srdreg.scid;
	s2 =	rddreg [dreg:$0x2]  }
0x4: {  	s1 =	sand.u32 $0x1, s1;
	s3 =	sshll.u32 s15, $0x1;
	s8 =	smul.u32 $0x9C40, s15  }
0x5: {  	s29 =	sshll.u32 s15, $0x6;
	s4 =	sor.u32 s1, s3;
	s10 =	smul.u32 $0x9C400, s1  }
0x6: {  	s3 =	rddreg [dreg:$0x3];
	s1 =	ssub.s32 $0x2, s1;
	s5 =	smul.u32 $0x9C4, s4  }
0x7: {  	s4 =	simm.s32 $0x0;
	s7 =	sshrl.u32 s8, $0x3;
	s25 =	sshrl.u32 s1, $0x1  }
0x8: {  	s16 =	sadd.s32 s8, s2;
	[smem:$0x7FF] =	sst s4;
	s24 =	sadd.s32 s8, s10  }
0x9: {  	s1 =	ssub.s32 s1, s25;
	s16 =	sshrl.u32 s16, $0x3;
	s9 =	sadd.s32 $0x9C4, s5  }
0xa: {  	s11 =	sshrl.u32 s5, $0x5;
	_ =	strace $0x8000004A;
	s23 =	sshrl.u32 s9, $0x5  }
0xb: {  	s9 =	sadd.s32 s7, s6;
	s7 =	sshrl.u32 s24, $0x3;
	s5 =	ssub.s32 s23, s11  }
0xc: {  	s14 =	sadd.s32 s7, s6;
	s28 =	sadd.s32 $0x15600, s9;
	s11 =	sshll.u32 s11, $0x4  }
0xd: {  	s12 =	sadd.s32 $0x2, s5;
	[dreg:$0x5] =	wrdreg s28;
	s30 =	sshll.u32 s5, $0x10  }
0xe: {  	s31 =	sadd.s32 $0x1, s5;
	s24 =	sadd.s32 s0, s11;
	s13 =	sshll.u32 s12, $0x10  }
0xf: {  	s18 =	sshll.u32 s31, $0x10;
	[dreg:$0x6] =	wrdreg s24;
	s6 =	sadd.s32 $0x9C40, s24  }
0x10: {  	s26 =	sshra.s32 s13, $0x10;
	s13 =	sshra.s32 s30, $0x10;
	s18 =	sshra.s32 s18, $0x10  }
0x11: {  	[dreg:$0x8] =	wrdreg s6;
	s30 =	sadd.s32 $0x29000, s14;
	s7 =	smul.u32 $0x5556, s26  }
0x12: {  	s13 =	smul.u32 $0x5556, s13;
	s26 =	sadd.s32 $0x1C00, s9;
	[dreg:$0x9] =	wrdreg s30  }
0x13: {  	p0 =	slt.s32 s5, $0x1;
	s18 =	smul.u32 $0x5556, s18;
	[dreg:$0x7] =	wrdreg s26  }
0x14: {  	s17 =	sshrl.u32 s7, $0x1F;
	s19 =	sshrl.u32 s7, $0x10;
	s7 =	sor.u32 $0x1C07, s29  }
0x15: {  	s20 =	sshrl.u32 s13, $0x1F;
	s13 =	sshrl.u32 s13, $0x10;
	s17 =	sadd.s32 s17, s19  }
0x16: {  	s21 =	sshrl.u32 s18, $0x1F;
	s10 =	sadd.s32 s20, s13;
	s19 =	smul.u32 $0x3, s17  }
0x17: {  	s20 =	sadd.s32 s8, s3;
	s17 =	sshrl.u32 s18, $0x10;
	s22 =	smul.u32 $0x3, s10  }
0x18: {  	s18 =	sshrl.u32 s20, $0x3;
	s23 =	sadd.s32 s21, s17;
	s17 =	simm.s32 $0x7  }
0x19: {  	s25 =	smul.u32 $0x3, s23;
	s28 =	ssub.s32 s12, s19;
	s29 =	ssub.s32 s5, s22  }
.Ltmp0:
0x1a: {  	s19 =	simm.s32 $0x80;
	s22 =	simm.s32 $0x0;
	(pc) =	sbr.rel .LBB2_1-.Ltmp0, $4  }
0x1b: {  	s11 =	sshll.u32 s28, $0x10;
	s12 =	sshll.u32 s29, $0x10;
	s0 =	ssub.s32 s31, s25  }
0x1c: {  	s11 =	sshra.s32 s11, $0x10;
	s12 =	sshra.s32 s12, $0x10;
	s0 =	sshll.u32 s0, $0x10  }
0x1d: {  	s31 =	smax.u32 s1, $0x1;
	s11 =	sadd.s32 $0x4, s11;
	s0 =	sshra.s32 s0, $0x10  }
0x1e: {  	s12 =	sadd.s32 $0x1, s12;
	[dreg:$0xa] =	wrdreg s31;
	s13 =	sadd.s32 $0x1, s0  }
.LBB2_4:
0x1f: {  	s6 =	sshll.u32 @!p1 s20, $0x7  }
0x20: {  	[sflag:s1] =	ssyncadd.s32 @!p1 $0xFFFFE000;
	s1 =	sand.u32 @!p1 $0x3FFFFF80, s6  }
0x21: {  	[tilespmem:s0], [sflag:s31] =	stream.indirect.gather @!p1 [spmem:s3], $0x40, s1, s29, $0xb8;
	[tilespmem:$0x1E780] =	vst v63  }
.LBB2_5:
0x22: {  	_ =	swait.ge [sflag:s11], $0x2000  }
0x23: {  	[sflag:s11] =	ssyncset.done $0x0  }
0x24: {  	[sflag:s11] =	ssyncadd.s32 $0xFFFFE000  }
0x25: {  	_ =	swait.ge [sflag:s12], $0x2000  }
0x26: {  	[sflag:s12] =	ssyncset.done $0x0  }
0x27: {  	[sflag:s12] =	ssyncadd.s32 $0xFFFFE000  }
0x28: {  	_ =	swait.ge [sflag:s13], $0x2000  }
0x29: {  	[sflag:s13] =	ssyncset.done $0x0  }
0x2a: {  	[sflag:s13] =	ssyncadd.s32 $0xFFFFE000  }
0x2b: {  	[bflag:$0x0] =	sbarrier.arrive $0xFFFF  }
0x2c: {  	s0 =	rddreg [dreg:$0x9]  }
0x2d: {  	[hbm:s0], [sflag:s7] =	dma.local [spmem:s16], $0x1388  }
0x2e: {  	_ =	swait.ge [sflag:s17], $0x1388  }
0x2f: {  	s22 =	sadd.s32 $0x1, s22;
	s31 =	rddreg [dreg:$0xa]  }
0x30: {  	p1 =	sne.s32 s22, s31  }
.Ltmp1:
0x31: {  	_ = 	snop;
	(pc) =	sbr.rel @!p1 .LBB2_6-.Ltmp1, $3  }
0x32: {  	_ =	sdelay $0x1  }
0x33: {  	[sflag:s17] =	ssyncset.done $0x0  }
0x34: {  	[sflag:s17] =	ssyncadd.s32 $0xFFFFEC78  }
.LBB2_1:
0x35: {  	s0 =	rddreg [dreg:$0x5]  }
0x36: {  	[spmem:s16], [sflag:s7] =	dma.local [hbm:s0], $0x1388  }
0x37: {  	_ =	swait.ge [sflag:s17], $0x1388  }
0x38: {  	[sflag:s17] =	ssyncset.done $0x0  }
0x39: {  	s24 =	rddreg [dreg:$0x7];
	[sflag:s17] =	ssyncadd.s32 $0xFFFFEC78  }
0x3a: {  	[spmem:s18], [sflag:s7] =	dma.local [hbm:s24], $0x1388  }
0x3b: {  	_ =	swait.ge [sflag:s17], $0x1388  }
0x3c: {  	[sflag:s17] =	ssyncset.done $0x0  }
0x3d: {  	s25 =	rddreg [dreg:$0x6];
	[sflag:s17] =	ssyncadd.s32 $0xFFFFEC78  }
0x3e: {  	[tilespmem:s4], [sflag:$0x7] =	stream.linear.gather [hbm4b:s25+s4], $0x2780, $0x38;
	[tilespmem:$0x1E780] =	vst v63  }
0x3f: {  	_ =	swait.ge [sflag:s17], $0x2780  }
0x40: {  	[sflag:s17] =	ssyncset.done $0x0  }
0x41: {  	s30 =	simm.s32 $0x2780;
	s26 =	rddreg [dreg:$0x8];
	[sflag:s17] =	ssyncadd.s32 $0xFFFFD880  }
0x42: {  	[tilespmem:s30], [sflag:$0x7] =	stream.linear.gather [hbm4b:s26+s4], $0x2780, $0x38;
	[tilespmem:$0x1E780] =	vst v63  }
0x43: {  	_ =	swait.ge [sflag:s17], $0x2780  }
0x44: {  	[sflag:s17] =	ssyncset.done $0x0  }
0x45: {  	[sflag:s17] =	ssyncadd.s32 $0xFFFFD880  }
0x46: {  	s28 =	simm.s32 $0x4F00;
	[bflag:$0x0] =	sbarrier.arrive $0xFFFF  }
0x47: {  	[tilespmem:s28], [sflag:$0x1] =	stream.indirect.gather [spmem:s3], $0x40, s4, s19, $0xb8;
	[tilespmem:$0x1E780] =	vst v63  }
.Ltmp2:
0x48: {  	_ = 	snop;
	(pc) =	sbr.rel @p0 .LBB2_5-.Ltmp2, $4  }
0x49: {  	s29 =	simm.s32 $0x6F00  }
0x4a: {  	[tilespmem:s29], [sflag:$0x2] =	stream.indirect.gather [spmem:s3], $0x40, s19, s19, $0xb8;
	[tilespmem:$0x1E780] =	vst v63  }
0x4b: {  	s31 =	simm.s32 $0x8F00;
	s1 =	simm.s32 $0x100;
	s0 =	simm.s32 $0x2  }
0x4c: {  	[tilespmem:s31], [sflag:$0x3] =	stream.indirect.gather [spmem:s3], $0x40, s1, s19, $0xb8;
	[tilespmem:$0x1E780] =	vst v63  }
0x4d: {  	s1 =	smulhi.u32 $0xAAAAAAAB, s4  }
0x4e: {  	p2 =	sgt.s32 s5, $0x1  }
0x4f: {  	s20 =	smulhi.u32 $0xAAAAAAAB, s0;
	s23 =	simm.s32 $0x6F00;
	s1 =	sshrl.u32 s1, $0x1  }
0x50: {  	p1 =	por $0x1, $0x1;
	s24 =	simm.s32 $0x2800;
	s31 =	smul.u32 $0xFFFE8000, s1  }
0x51: {  	s25 =	simm.s32 $0xAF00;
	s26 =	simm.s32 $0x1;
	s1 =	smul.u32 $0xFFFFFFF4, s1  }
0x52: {  	s28 =	simm.s32 $0x4;
	(drf) =	srem.u32 @!p1 s0, s5;
	s20 =	sshrl.u32 s20, $0x1  }
0x53: {  	s29 =	simm.s32 @!p1 $0x80;
	s14 =	smul.u32 $0xFFFFFFF4, s20;
	s1 =	sshra.s32 s1, $0x2  }
0x54: {  	s20 =	smul.u32 $0xFFFE8000, s20;
	s15 =	sshra.s32 s31, $0x2;
	s21 =	sadd.s32 $0x0, s1  }
0x55: {  	s0 =	sshra.s32 s14, $0x2;
	s6 =	sadd.s32 $0x4F00, s15;
	s31 =	sadd.s32 $0x1, s21  }
0x56: {  	s1 =	sadd.s32 $0x6, s0;
	s0 =	sadd.s32 $0x3, s0;
	_ =	swait.ge [sflag:s31], $0x2000  }
.Ltmp3:
0x57: {  	s1 =	sadd.s32 @!p1 $0x0, s1;
	[sflag:s31] =	ssyncset.done $0x0;
	(pc) =	sbr.rel @!p2 .LBB2_4-.Ltmp3, $4  }
0x58: {  	s21 =	sadd.s32 $0x4, s21;
	[sflag:s31] =	ssyncadd.s32 $0xFFFFE000;
	s31 =	sadd.s32 @!p1 $0x0, s0  }
0x59: {  	[spmem:s2] =	stream.indirect.scatter.add.f32 [tilespmem:s6], [sflag:s21], $0x40, s30, s19, $0xb8;
	[tilespmem:$0x1E780] =	vst v63  }
0x5a: {  	s21 =	sshra.s32 s20, $0x2;
	s30 =	simm.s32 $0x3;
	_ =	swait.ge @!p1 [sflag:s1], $0x2000  }
0x5b: {  	s0 =	sadd.s32 $0x8F00, s21;
	[sflag:s1] =	ssyncset.done @!p1 $0x0;
	s20 =	spop @!p1 (drf)  }
.LBB2_3:
0x5c: {  	s6 =	sadd.s32 $0xFFFFFFFF, s30;
	[sflag:s1] =	ssyncadd.s32 @!p1 $0xFFFFE000;
	s1 =	sshll.u32 @!p1 s20, $0x7  }
0x5d: {  	p2 =	slt.s32 s6, s5;
	s1 =	sand.u32 @!p1 $0x3FFFFF80, s1;
	s6 =	smov.u32 s23  }
0x5e: {  	[tilespmem:s0], [sflag:s31] =	stream.indirect.gather @!p1 [spmem:s3], $0x40, s1, s29, $0xb8;
	[tilespmem:$0x1E780] =	vst v63  }
0x5f: {  	s0 =	smulhi.u32 $0xAAAAAAAB, s26  }
0x60: {  	s20 =	smov.u32 s24;
	s21 =	smov.u32 s25;
	s23 =	sadd.s32 $0x2000, s23  }
0x61: {  	s1 =	smov.u32 s28;
	s31 =	smulhi.u32 $0xAAAAAAAB, s30;
	s0 =	sshrl.u32 s0, $0x1  }
0x62: {  	s24 =	sadd.s32 $0x80, s24;
	p1 =	seq.s32 s28, $0x0;
	s9 =	smul.u32 $0xFFFE8000, s0  }
0x63: {  	s29 =	simm.s32 @!p1 $0x80;
	s31 =	sshrl.u32 s31, $0x1;
	s0 =	smul.u32 $0xFFFFFFF4, s0  }
0x64: {  	s25 =	sadd.s32 $0x2000, s25;
	s10 =	smul.u32 $0xFFFFFFF4, s31  }
0x65: {  	s26 =	sadd.s32 $0x1, s26;
	s28 =	sadd.s32 $0x4, s28;
	(drf) =	srem.u32 @!p1 s30, s5  }
0x66: {  	s8 =	sshra.s32 s1, $0x2;
	s15 =	smul.u32 $0xFFFE8000, s31;
	s0 =	sshra.s32 s0, $0x2  }
0x67: {  	s0 =	sadd.s32 s8, s0;
	s8 =	sshra.s32 s9, $0x2;
	s9 =	sshra.s32 @!p1 s1, $0x2  }
0x68: {  	s1 =	sshra.s32 s10, $0x2;
	s6 =	sadd.s32 s8, s6;
	s8 =	sadd.s32 $0x1, s0  }
0x69: {  	s10 =	sadd.s32 $0x6, s1;
	s14 =	sadd.s32 $0x3, s1;
	_ =	swait.ge [sflag:s8], $0x2000  }
.Ltmp4:
0x6a: {  	s1 =	sadd.s32 @!p1 s9, s10;
	[sflag:s8] =	ssyncset.done $0x0;
	(pc) =	sbr.rel @p2 .LBB2_3-.Ltmp4, $4  }
0x6b: {  	s0 =	sadd.s32 $0x4, s0;
	s31 =	sadd.s32 @!p1 s9, s14;
	[sflag:s8] =	ssyncadd.s32 $0xFFFFE000  }
0x6c: {  	[spmem:s2] =	stream.indirect.scatter.add.f32 [tilespmem:s6], [sflag:s0], $0x40, s20, s19, $0xb8;
	[tilespmem:$0x1E780] =	vst v63  }
0x6d: {  	s30 =	sadd.s32 $0x1, s30;
	s0 =	sshra.s32 s15, $0x2;
	_ =	swait.ge @!p1 [sflag:s1], $0x2000  }
0x6e: {  	s0 =	sadd.s32 s0, s21;
	[sflag:s1] =	ssyncset.done @!p1 $0x0;
	s20 =	spop @!p1 (drf)  }
.Ltmp5:
0x6f: {  	_ = 	snop;
	(pc) =	sbr.rel .LBB2_4-.Ltmp5, $1  }
0x70: {  	_ =	sdelay $0x3  }
.LBB2_6:
0x71: {  	_ =	sfence.sel $0x180000  }
0x72: {  	[bflag:$0x0] =	sbarrier.arrive $0xFFFF  }
0x73: {  	_ =	strace $0x9000004A  }
0x74: {  	s0 =	stileid.u32;
	[bflag:$0x2] =	sbarrier.arrive $0xFFFF  }
0x75: {  	p0 =	sne.s32 s0, $0x0;
	s0 =	rddreg [dreg:$0x4]  }
0x76: {  	s0 =	sadd.s32 @!p0 $0x100000, s0  }
0x77: {  	[sflag:s0] =	ssyncadd.tile.s32 @!p0 $0x1;
	_ =	shalt  }
.Lfunc_end2:
_tile_overlayer_lowered:
.L_overlay_start_2:
0x78: {  	(tag) =	ssettag $0x2  }
0x79: {  	s0 =	rddreg [dreg:$0x0];
	s2 =	stileid.u32  }
0x7a: {  	s1 =	rddreg [dreg:$0x1];
	p0 =	sne.s32 s2, $0x0  }
0x7b: {  	s3 =	rddreg [dreg:$0x2];
	[bflag:$0x3] =	sbarrier.arrive $0xFFFF;
	s2 =	simm.s32 @!p0 $0x1C07  }
0x7c: {  	[timem:s3], [sflag:s2] =	dma.local @!p0 [hbm:s0], s1  }
0x7d: {  	s0 =	simm.s32 @!p0 $0x7  }
0x7e: {  	_ =	swait.ge @!p0 [sflag:s0], s1  }
0x7f: {  	s1 =	ssub.s32 @!p0 $0x0, s1;
	[sflag:s0] =	ssyncset.done @!p0 $0x0  }
0x80: {  	[sflag:s0] =	ssyncadd.s32 @!p0 s1  }
0x81: {  	[bflag:$0x3] =	sbarrier.arrive $0xFFFF  }
0x82: {  	_ =	shalt  }

// kernel: kernel.7.cloned.1.call-start
scs
__scs_entry_jumppad:
0x0: {  	(pc) =	sbr.rel $0x88, $3  }
0x1: {  	(tag) =	ssettag $0x0;
	lr =	simm.s32 $0x1  }
0x2: {  	[smem:$0x3F99] =	sst lr;
	_ =	strace $0xD0000000  }
0x3: {  	_ = 	snop  }
0x4: {  	_ = 	snop  }
0x5: {  	_ = 	snop  }
0x6: {  	_ = 	snop  }
0x7: {  	_ = 	snop  }
__scs_overlays_trampoline_lowered:
0x8: {  	[smem:$0x3FA8] =	sst s0  }
0x9: {  	[smem:$0x3FA9] =	sst s1  }
0xa: {  	[smem:$0x3FAA] =	sst s2  }
0xb: {  	[smem:$0x3FAB] =	sst s3  }
0xc: {  	[smem:$0x3FAC] =	sst s4  }
0xd: {  	[smem:$0x3FAD] =	sst s5  }
0xe: {  	[smem:$0x3FAE] =	sst s6  }
0xf: {  	[smem:$0x3FAF] =	sst s7  }
0x10: {  	[smem:$0x3FB0] =	sst s8  }
0x11: {  	[smem:$0x3FB1] =	sst s9;
	s0 =	simm.s32 @!p0 $0x0  }
0x12: {  	s1 =	sld [smem:$0x3F97];
	s0 =	simm.s32 @p0 $0x1  }
0x13: {  	[smem:$0x3FB2] =	sst s0;
	s0 =	simm.s32 @!p1 $0x0  }
0x14: {  	s2 =	sld [smem:$0x3F96];
	s0 =	simm.s32 @p1 $0x1  }
0x15: {  	[smem:$0x3FB3] =	sst s0;
	s0 =	simm.s32 @!p2 $0x0  }
0x16: {  	s3 =	sld [smem:$0x3FDB];
	s0 =	simm.s32 @p2 $0x1  }
0x17: {  	s4 =	simm.s32 $0x1BF5;
	[smem:$0x3FB5] =	sst s0  }
0x18: {  	s0 =	sld [smem:$0x3F98];
	_ =	swait.ge [sflag:s4], $0x0  }
0x19: {  	s7 =	sld [smem:$0x3F99]  }
0x1a: {  	s8 =	sadd.s32 $0xFFFFE003, lr  }
0x1b: {  	s9 =	sadd.s32 $0xFFFFFEF7, lr;
	s5 =	simm.s32 $0xFFFFFFFF;
	p2 =	slt.u32 s8, $0xFFFFF086  }
0x1c: {  	p1 =	slt.u32 s9, $0xF7A;
	s5 =	simm.s32 @!p2 $0x0  }
0x1d: {  	s5 =	simm.s32 @p1 $0x1;
	p0 =	seq.s32 s7, s2  }
0x1e: {  	s7 =	smul.u32 @!p0 $0xF7A, s2;
	p2 =	seq.s32 @!p0 s5, $0x0  }
0x1f: {  	s9 =	smul.u32 $0xF7A, s1;
	s8 =	simm.s32 @!p0 $0x1BF5;
	p2 =	por !p2, p0  }
0x20: {  	[sflag:s8] =	ssyncset.s32 @!p0 $0xFFFFF086;
	s6 =	sadd.s32 @!p0 s3, s7;
	s7 =	simm.s32 @!p0 $0x108  }
0x21: {  	s3 =	sadd.s32 s3, s9;
	s6 =	sadd.s32 @!p0 $0x88, s6;
	s7 =	simm.s32 @p2 $0x1082  }
0x22: {  	[simem:s7], [sflag:s8] =	dma.local @!p0 [hbm:s6], $0xF7A  }
0x23: {  	s9 =	sor.u32 $0xD0000000, s2;
	s6 =	simm.s32 $0x108;
	_ =	swait.ge @!p0 [sflag:s8], $0x0  }
0x24: {  	s3 =	sadd.s32 $0x88, s3;
	s6 =	simm.s32 @!p1 $0x1082;
	[sflag:s4] =	ssyncset.s32 $0xFFFFF086  }
0x25: {  	[simem:s6], [sflag:s4] =	dma.local [hbm:s3], $0xF7A  }
0x26: {  	[smem:$0x3F99] =	sst s1;
	(tag) =	ssettag s2;
	_ =	strace s9  }
0x27: {  	s1 =	sld [smem:$0x3FA9]  }
0x28: {  	s2 =	sld [smem:$0x3FAA]  }
0x29: {  	s4 =	sld [smem:$0x3FAC]  }
0x2a: {  	p0 =	seq.s32 s5, $0x0;
	s5 =	sld [smem:$0x3FAD]  }
0x2b: {  	s6 =	sld [smem:$0x3FAE]  }
0x2c: {  	s7 =	sld [smem:$0x3FAF]  }
0x2d: {  	s3 =	simm.s32 $0x108;
	s8 =	sld [smem:$0x3FB0]  }
0x2e: {  	s3 =	simm.s32 @!p0 $0x1082;
	s9 =	sld [smem:$0x3FB1]  }
0x2f: {  	lr =	sadd.s32 s0, s3;
	s0 =	sld [smem:$0x3FA8]  }
0x30: {  	s3 =	sld [smem:$0x3FAB]  }
0x31: {  	[smem:$0x3FB4] =	sst s10  }
0x32: {  	s10 =	sld [smem:$0x3FB2];
	_ =	sdelay $0x3  }
0x33: {  	p0 =	seq.s32 s10, $0x1;
	s10 =	sld [smem:$0x3FB4];
	_ =	sdelay $0x3  }
0x34: {  	[smem:$0x3FB4] =	sst s10  }
0x35: {  	s10 =	sld [smem:$0x3FB3];
	_ =	sdelay $0x3  }
0x36: {  	p1 =	seq.s32 s10, $0x1;
	s10 =	sld [smem:$0x3FB4];
	_ =	sdelay $0x3  }
0x37: {  	[smem:$0x3FB4] =	sst s10  }
0x38: {  	s10 =	sld [smem:$0x3FB5]  }
0x39: {  	_ = 	snop;
	(pc) =	sbr.ind lr, $3  }
0x3a: {  	_ = 	snop  }
0x3b: {  	_ = 	snop  }
0x3c: {  	p2 =	seq.s32 s10, $0x1;
	s10 =	sld [smem:$0x3FB4]  }
0x3d: {  	_ =	shalt  }
0x3e: {  	_ =	shalt  }
0x3f: {  	_ =	shalt  }
0x40: {  	_ =	shalt  }
0x41: {  	_ =	shalt  }
0x42: {  	_ =	shalt  }
0x43: {  	_ =	shalt  }
0x44: {  	_ =	shalt  }
0x45: {  	_ =	shalt  }
0x46: {  	_ =	shalt  }
0x47: {  	_ =	shalt  }
0x48: {  	_ =	shalt  }
0x49: {  	_ =	shalt  }
0x4a: {  	_ =	shalt  }
0x4b: {  	_ =	shalt  }
0x4c: {  	_ =	shalt  }
0x4d: {  	_ =	shalt  }
0x4e: {  	_ =	shalt  }
0x4f: {  	_ =	shalt  }
0x50: {  	_ =	shalt  }
0x51: {  	_ =	shalt  }
0x52: {  	_ =	shalt  }
0x53: {  	_ =	shalt  }
0x54: {  	_ =	shalt  }
0x55: {  	_ =	shalt  }
0x56: {  	_ =	shalt  }
0x57: {  	_ =	shalt  }
0x58: {  	_ =	shalt  }
0x59: {  	_ =	shalt  }
0x5a: {  	_ =	shalt  }
0x5b: {  	_ =	shalt  }
0x5c: {  	_ =	shalt  }
0x5d: {  	_ =	shalt  }
0x5e: {  	_ =	shalt  }
0x5f: {  	_ =	shalt  }
0x60: {  	_ =	shalt  }
0x61: {  	_ =	shalt  }
0x62: {  	_ =	shalt  }
0x63: {  	_ =	shalt  }
0x64: {  	_ =	shalt  }
0x65: {  	_ =	shalt  }
0x66: {  	_ =	shalt  }
0x67: {  	_ =	shalt  }
0x68: {  	_ =	shalt  }
0x69: {  	_ =	shalt  }
0x6a: {  	_ =	shalt  }
0x6b: {  	_ =	shalt  }
0x6c: {  	_ =	shalt  }
0x6d: {  	_ =	shalt  }
0x6e: {  	_ =	shalt  }
0x6f: {  	_ =	shalt  }
0x70: {  	_ =	shalt  }
0x71: {  	_ =	shalt  }
0x72: {  	_ =	shalt  }
0x73: {  	_ =	shalt  }
0x74: {  	_ =	shalt  }
0x75: {  	_ =	shalt  }
0x76: {  	_ =	shalt  }
0x77: {  	_ =	shalt  }
0x78: {  	_ =	shalt  }
0x79: {  	_ =	shalt  }
0x7a: {  	_ =	shalt  }
0x7b: {  	_ =	shalt  }
0x7c: {  	_ =	shalt  }
0x7d: {  	_ =	shalt  }
0x7e: {  	_ =	shalt  }
0x7f: {  	_ =	shalt  }
0x80: {  	_ =	shalt  }
0x81: {  	_ =	shalt  }
0x82: {  	_ =	shalt  }
0x83: {  	_ =	shalt  }
0x84: {  	_ =	shalt  }
0x85: {  	_ =	shalt  }
0x86: {  	_ =	shalt  }
0x87: {  	_ =	shalt  }
.Lfunc_end0:
.L_simem_size_0:
called_computation_lowered:
.L_overlay_start_0:
0x88: {  	s2 =	sld [smem:$0x3FD9]  }
0x89: {  	s3 =	sld [smem:$0x3FFE];
	_ =	sdelay $0x1  }
0x8a: {  	s1 =	srdreg.scid  }
0x8b: {  	s0 =	sand.u32 $0x1, s1  }
0x8c: {  	s17 =	sshll.u32 s0, $0xA;
	s2 =	sadd.s32 s3, s2  }
0x8d: {  	s2 =	sadd.s32 s2, s17  }
0x8e: {  	[smem:$0x3FC0] =	sst s2  }
0x8f: {  	_ = 	snop  }
0x90: {  	s2 =	sld [smem:$0x3FD0];
	(tm) =	ssettm $0x1  }
0x91: {  	s18 =	sld [smem:$0x3FFB];
	_ =	sdelay $0x3  }
0x92: {  	_ =	strace s18  }
0x93: {  	s3 =	sld [smem:$0x3FFC];
	_ =	sdelay $0x3  }
0x94: {  	_ =	strace s3  }
0x95: {  	s3 =	sld [smem:$0x3FFD];
	_ =	sdelay $0x3  }
0x96: {  	_ =	strace s3  }
0x97: {  	_ =	strace $0x8FFFFFFF  }
0x98: {  	s19 =	sld [smem:$0x3FDB];
	_ =	sdelay $0x1  }
0x99: {  	s4 =	simm.s32 $_scs_section_size  }
0x9a: {  	s5 =	simm.s32 $_size__tile_overlayer_lowered;
	s6 =	simm.s32 $_tile_overlayer_lowered  }
0x9b: {  	s22 =	simm.s32 $0x1BFF;
	s21 =	sshll.u32 s6, $0x1;
	s3 =	sadd.s32 s4, s19  }
0x9c: {  	s7 =	simm.s32 $0x0;
	s20 =	sshll.u32 s5, $0x1;
	s5 =	sadd.s32 s21, s3  }
0x9d: {  	[timem:s7], [sflag:s22] =	dma.local [hbm:s5], s20  }
0x9e: {  	_ =	swait.ge [sflag:s22], s20  }
0x9f: {  	s4 =	ssub.s32 $0x0, s20;
	[sflag:s22] =	ssyncset.done $0x0  }
0xa0: {  	[sflag:s22] =	ssyncadd.s32 s4;
	_ =	sdelay $0x1  }
0xa1: {  	s23 =	simm.s32 $0x1B8B  }
0xa2: {  	_ =	swait.ge [sflag:s23], $0x1  }
0xa3: {  	[sflag:s23] =	ssyncset.done $0x0  }
0xa4: {  	s25 =	simm.s32 $0x1B8E;
	s24 =	sld [smem:$0x3FFE];
	[sflag:s23] =	ssyncadd.s32 $0xFFFFFFFF  }
0xa5: {  	s26 =	simm.s32 $execute0_lowered;
	[smem:$0x3FD2] =	sst s25  }
0xa6: {  	s5 =	sshll.u32 s26, $0x1;
	_ =	strace $0x80000046;
	[dreg:$0x1] =	wrdreg $0xFFFFFFFF  }
0xa7: {  	s28 =	simm.s32 $_size_execute0_lowered;
	s3 =	sadd.s32 s3, s5;
	[dreg:$0x0] =	wrdreg $0x0  }
0xa8: {  	s5 =	sshll.u32 s28, $0x1;
	[dreg:$0x2] =	wrdreg s3  }
0xa9: {  	[dreg:$0x3] =	wrdreg s5  }
0xaa: {  	[dreg:$0x4] =	wrdreg $0xC0  }
0xab: {  	_ =	task [dreg:s7], $0x5FFFF  }
0xac: {  	[dreg:$0x1] =	wrdreg $0xFFFFFFFF  }
0xad: {  	[dreg:$0x0] =	wrdreg $0x60  }
0xae: {  	[dreg:$0x2] =	wrdreg s2  }
0xaf: {  	[dreg:$0x3] =	wrdreg s24  }
0xb0: {  	[dreg:$0x4] =	wrdreg $0x28000  }
0xb1: {  	[dreg:$0x5] =	wrdreg $0x9  }
0xb2: {  	_ =	task.clear_ibuf [dreg:s7], $0x6FFFF;
	_ =	strace $0x90000046  }
0xb3: {  	s29 =	simm.s32 $0x9;
	_ =	strace $0x80000048  }
0xb4: {  	_ =	swait.ge [sflag:s29], $0x1  }
0xb5: {  	[sflag:s29] =	ssyncadd.s32 $0xFFFFFFFF  }
0xb6: {  	_ =	strace $0x90000048  }
0xb7: {  	_ =	sfence  }
0xb8: {  	s30 =	sld [smem:$0x0];
	_ =	sdelay $0x2  }
0xb9: {  	s31 =	sshll.u32 s1, $0xD;
	s1 =	sshrl.u32 s1, $0x2  }
0xba: {  	s3 =	sand.u32 $0x4000, s31;
	s1 =	sadd.s32 s1, s30  }
0xbb: {  	s0 =	sor.u32 s3, s0;
	s1 =	sshll.u32 s1, $0x11  }
0xbc: {  	s0 =	sor.u32 s1, s0  }
0xbd: {  	s0 =	sadd.s32 $0x8F2B, s0  }
0xbe: {  	[sflag:s0] =	ssyncadd.remote.s32 $0x1  }
0xbf: {  	_ =	sfence.sel $0xFFFF  }
0xc0: {  	[dreg:$0x0] =	wrdreg $0xFFFFFFFF;
	(pc) =	sbr.abs _section_cstart, $3  }
0xc1: {  	[dreg:$0x1] =	wrdreg $0xFFFFFFFF  }
0xc2: {  	_ =	task.clear_ibuf [dreg:s7], $0x2FFFF;
	_ =	strace $0x9FFFFFFF  }
0xc3: {  	(tm) =	ssettm $0x7FFFFFFF  }
tec
execute0_lowered:
.L_overlay_start_1:
0x0: {  	(tag) =	ssettag $0x1  }
0x1: {  	s8 =	rddreg [dreg:$0x0]  }
0x2: {  	s5 =	rddreg [dreg:$0x1]  }
0x3: {  	s2 =	rddreg [dreg:$0x2]  }
0x4: {  	s0 =	rddreg [dreg:$0x3]  }
0x5: {  	s1 =	stileid.u32;
	s4 =	srdreg.scid  }
0x6: {  	s3 =	simm.s32 $0x0;
	s17 =	simm.s32 $0x0;
	s6 =	smul.u32 $0x271, s1  }
0x7: {  	s7 =	sand.u32 $0x1, s4;
	[smem:$0x7FF] =	sst s3;
	s9 =	sshll.u32 s1, $0x1  }
0x8: {  	s15 =	sshll.u32 s1, $0x6;
	s4 =	smul.u32 $0x2710, s7;
	_ =	strace $0x80000047  }
0x9: {  	s9 =	sor.u32 s7, s9;
	s26 =	ssub.s32 $0x2, s7;
	s10 =	sshrl.u32 s6, $0x3  }
0xa: {  	s9 =	smul.u32 $0x9C4, s9;
	s12 =	sshrl.u32 s26, $0x1;
	s11 =	sadd.s32 s4, s6  }
0xb: {  	s4 =	sadd.s32 $0x1C00, s5;
	s10 =	sadd.s32 s10, s5;
	s12 =	ssub.s32 s26, s12  }
0xc: {  	s6 =	sand.u32 $0x3FF8, s6;
	s11 =	sshrl.u32 s11, $0x3;
	s28 =	sadd.s32 $0x9C4, s9  }
0xd: {  	s9 =	sshrl.u32 s9, $0x5;
	s13 =	sadd.s32 s6, s2;
	s6 =	sadd.s32 $0x1E00, s10  }
0xe: {  	s12 =	smax.u32 s12, $0x1;
	s11 =	sadd.s32 s11, s5;
	s7 =	sshrl.u32 s28, $0x5  }
0xf: {  	s13 =	sshrl.u32 s13, $0x3;
	s5 =	ssub.s32 s7, s9;
	s9 =	sshll.u32 s9, $0x4  }
0x10: {  	s11 =	sadd.s32 $0x2400, s11;
	s7 =	sand.u32 $0x8000, s5;
	s14 =	sadd.s32 $0x1, s5  }
0x11: {  	s8 =	sadd.s32 s9, s8;
	p0 =	slt.s32 s5, $0x1;
	s7 =	sshrl.u32 s7, $0xF  }
0x12: {  	s29 =	sand.u32 $0x8000, s14;
	s8 =	sadd.s32 $0x9C40, s8;
	p1 =	seq.s32 @!p0 s5, $0x1  }
0x13: {  	s16 =	sadd.s32 s7, s5;
	s10 =	sshrl.u32 s29, $0xF;
	s7 =	sor.u32 $0x1C03, s15  }
0x14: {  	p1 =	por p0, p1;
	s30 =	sand.u32 $0xFFFE, s16;
	s10 =	sadd.s32 s10, s14  }
.Ltmp0:
0x15: {  	p2 =	slt.u32 @!p1 s5, $0x3;
	s10 =	sand.u32 $0xFFFE, s10;
	(pc) =	sbr.rel .LBB2_1-.Ltmp0, $4  }
0x16: {  	s16 =	simm.s32 $0x80;
	s15 =	ssub.s32 s5, s30;
	s10 =	ssub.s32 s14, s10  }
0x17: {  	p2 =	por p1, p2;
	s31 =	sshll.u32 s15, $0x10;
	s10 =	sshll.u32 s10, $0x10  }
0x18: {  	s14 =	simm.s32 $0x3;
	s9 =	sshra.s32 s31, $0x10;
	s10 =	sshra.s32 s10, $0x10  }
0x19: {  	s15 =	simm.s32 $0x2780;
	s9 =	sadd.s32 $0x1, s9;
	s10 =	sadd.s32 $0x1, s10  }
.LBB2_4:
0x1a: {  	[spmem:s2] =	stream.indirect.scatter.add.f32 [tilespmem:s15], [sflag:s18], $0x1, s21, s16, $0xb8;
	[tilespmem:$0x2A78] =	vst v63  }
.LBB2_5:
0x1b: {  	_ =	swait.ge [sflag:s9], $0x80  }
0x1c: {  	[sflag:s9] =	ssyncset.done $0x0  }
0x1d: {  	[sflag:s9] =	ssyncadd.s32 $0xFFFFFF80  }
0x1e: {  	_ =	swait.ge [sflag:s10], $0x80  }
0x1f: {  	s17 =	sadd.s32 $0x1, s17;
	[sflag:s10] =	ssyncset.done $0x0  }
0x20: {  	p3 =	sne.s32 s17, s12;
	[sflag:s10] =	ssyncadd.s32 $0xFFFFFF80  }
.Ltmp1:
0x21: {  	[bflag:$0x0] =	sbarrier.arrive $0xFFFF;
	(pc) =	sbr.rel @!p3 .LBB2_6-.Ltmp1, $4  }
0x22: {  	[hbm:s11], [sflag:s7] =	dma.local [spmem:s13], $0x4F  }
0x23: {  	_ =	swait.ge [sflag:s14], $0x4F  }
0x24: {  	[sflag:s14] =	ssyncset.done $0x0  }
0x25: {  	[sflag:s14] =	ssyncadd.s32 $0xFFFFFFB1  }
.LBB2_1:
0x26: {  	[spmem:s13], [sflag:s7] =	dma.local [hbm:s6], $0x4F  }
0x27: {  	_ =	swait.ge [sflag:s14], $0x4F  }
0x28: {  	[sflag:s14] =	ssyncset.done $0x0  }
0x29: {  	[sflag:s14] =	ssyncadd.s32 $0xFFFFFFB1  }
0x2a: {  	[tilespmem:s15], [sflag:$0x3] =	stream.linear.gather [hbm4b:s4+s3], $0x80, $0x38;
	[tilespmem:$0x2A78] =	vst v63  }
0x2b: {  	_ =	swait.ge [sflag:s14], $0x80  }
0x2c: {  	[sflag:s14] =	ssyncset.done $0x0  }
0x2d: {  	[sflag:s14] =	ssyncadd.s32 $0xFFFFFF80  }
0x2e: {  	[tilespmem:s3], [sflag:$0x3] =	stream.linear.gather [hbm4b:s8+s3], $0x2780, $0x38;
	[tilespmem:$0x2A78] =	vst v63  }
0x2f: {  	_ =	swait.ge [sflag:s14], $0x2780  }
0x30: {  	[sflag:s14] =	ssyncset.done $0x0  }
.Ltmp2:
0x31: {  	s18 =	simm.s32 @!p0 $0x80;
	[sflag:s14] =	ssyncadd.s32 $0xFFFFD880;
	(pc) =	sbr.rel @p2 .LBB2_5-.Ltmp2, $4  }
0x32: {  	s19 =	simm.s32 @!p0 $0x0;
	s20 =	simm.s32 @!p0 $0x2780;
	[bflag:$0x0] =	sbarrier.arrive $0xFFFF  }
0x33: {  	[spmem:s2] =	stream.indirect.scatter.add.f32 @!p0 [tilespmem:s20], [sflag:$0x1], $0x1, s19, s18, $0xb8;
	[tilespmem:$0x2A78] =	vst v63  }
0x34: {  	s18 =	simm.s32 @!p1 $0x80;
	s19 =	simm.s32 @!p1 $0x2780  }
0x35: {  	[spmem:s2] =	stream.indirect.scatter.add.f32 @!p1 [tilespmem:s19], [sflag:$0x2], $0x1, s18, s18, $0xb8;
	[tilespmem:$0x2A78] =	vst v63  }
0x36: {  	s18 =	simm.s32 @!p1 $0x2;
	p3 =	sgt.s32 s5, $0x3  }
.Ltmp3:
0x37: {  	s18 =	sand.u32 $0x1, s18;
	(pc) =	sbr.rel @!p3 .LBB2_4-.Ltmp3, $4  }
0x38: {  	s18 =	sadd.s32 $0x1, s18  }
0x39: {  	_ =	swait.ge [sflag:s18], $0x80  }
0x3a: {  	s21 =	simm.s32 @!p1 $0x100;
	[sflag:s18] =	ssyncset.done $0x0  }
0x3b: {  	s19 =	simm.s32 $0x3;
	s20 =	simm.s32 $0x180;
	[sflag:s18] =	ssyncadd.s32 $0xFFFFFF80  }
.LBB2_3:
0x3c: {  	[spmem:s2] =	stream.indirect.scatter.add.f32 [tilespmem:s15], [sflag:s18], $0x1, s21, s16, $0xb8;
	[tilespmem:$0x2A78] =	vst v63  }
0x3d: {  	s18 =	sand.u32 $0x1, s19;
	s19 =	sadd.s32 $0x1, s19  }
0x3e: {  	p3 =	slt.s32 s19, s5  }
.Ltmp4:
0x3f: {  	(pc) =	sbr.rel @p3 .LBB2_3-.Ltmp4, $4  }
0x40: {  	s21 =	smov.u32 s20;
	s18 =	sadd.s32 $0x1, s18  }
0x41: {  	_ =	swait.ge [sflag:s18], $0x80  }
0x42: {  	[sflag:s18] =	ssyncset.done $0x0  }
0x43: {  	s20 =	sadd.s32 $0x80, s20;
	[sflag:s18] =	ssyncadd.s32 $0xFFFFFF80  }
.Ltmp5:
0x44: {  	_ = 	snop;
	(pc) =	sbr.rel .LBB2_4-.Ltmp5, $1  }
0x45: {  	_ =	sdelay $0x3  }
.LBB2_6:
0x46: {  	_ =	sfence.sel $0x180000  }
0x47: {  	[bflag:$0x0] =	sbarrier.arrive $0xFFFF  }
0x48: {  	p0 =	sne.s32 s1, $0x0;
	_ =	strace $0x90000047  }
0x49: {  	s0 =	sadd.s32 @!p0 $0x100000, s0;
	[bflag:$0x2] =	sbarrier.arrive $0xFFFF  }
0x4a: {  	[sflag:s0] =	ssyncadd.tile.s32 @!p0 $0x1;
	_ =	shalt  }
.Lfunc_end2:
_tile_overlayer_lowered:
.L_overlay_start_2:
0x4b: {  	(tag) =	ssettag $0x2  }
0x4c: {  	s0 =	rddreg [dreg:$0x0];
	s2 =	stileid.u32  }
0x4d: {  	s1 =	rddreg [dreg:$0x1];
	p0 =	sne.s32 s2, $0x0  }
0x4e: {  	s3 =	rddreg [dreg:$0x2];
	[bflag:$0x3] =	sbarrier.arrive $0xFFFF;
	s2 =	simm.s32 @!p0 $0x1C03  }
0x4f: {  	[timem:s3], [sflag:s2] =	dma.local @!p0 [hbm:s0], s1  }
0x50: {  	s0 =	simm.s32 @!p0 $0x3  }
0x51: {  	_ =	swait.ge @!p0 [sflag:s0], s1  }
0x52: {  	s1 =	ssub.s32 @!p0 $0x0, s1;
	[sflag:s0] =	ssyncset.done @!p0 $0x0  }
0x53: {  	[sflag:s0] =	ssyncadd.s32 @!p0 s1  }
0x54: {  	[bflag:$0x3] =	sbarrier.arrive $0xFFFF  }
0x55: {  	_ =	shalt  }

</sc_bundles>
